<compile_context>
chip_gen: v7x
topology: tpu7x:2x2x1
jax: 0.10.2.dev20260603
libtpu: 0.0.44.dev20260713+nightly
codegen_flags: <defaults>
</compile_context>

<pallas_src>
import functools

import jax
import jax.numpy as jnp
from jax import lax
from jax.experimental import pallas as pl
from jax.experimental.pallas import tpu as pltpu
from jax.experimental.pallas import tpu_sc as plsc

N_NODES = 10000
N_EDGES = 320000
D_FEAT = 128
D_HALF = 64
LANES = 16

NUM_CORES = 2
NUM_SUBCORES = 16
NUM_WORKERS = NUM_CORES * NUM_SUBCORES

SUB = 100
SUBS_PER_MACRO = 8
EDGE_ROWS = 2 * N_EDGES // SUB
ROWS_PER_TILE = EDGE_ROWS // NUM_WORKERS
MACROS_PER_TILE = ROWS_PER_TILE // SUBS_PER_MACRO

N_PAD = 10240
NODES_PER_TILE = N_PAD // NUM_SUBCORES
LAST_TILE_VALID = N_NODES - 15 * (N_PAD // NUM_SUBCORES)


def _sc_body(xcat_hbm, gidx_hbm, sidx_hbm, w_hbm, out_hbm,
             acc, cnt, gbuf, sbuf, wbuf, rows, ones, zbuf, zcnt, sem):
    c = lax.axis_index("c")
    s = lax.axis_index("s")
    wid = c * NUM_SUBCORES + s

    zv = jnp.zeros((LANES,), jnp.float32)
    ov = jnp.ones((LANES,), jnp.float32)

    def init_ones(i, carry):
        ones[i, :] = ov
        return carry
    lax.fori_loop(0, SUB, init_ones, 0)

    def init_z(i, carry):
        for k in range(D_HALF // LANES):
            zbuf[i, pl.ds(k * LANES, LANES)] = zv
        zcnt[i, :] = zv
        return carry
    lax.fori_loop(0, NODES_PER_TILE, init_z, 0)

    node0 = s * NODES_PER_TILE
    pltpu.sync_copy(zbuf, acc.at[pl.ds(node0, NODES_PER_TILE)])
    pltpu.sync_copy(zcnt, cnt.at[pl.ds(node0, NODES_PER_TILE)])
    plsc.subcore_barrier()

    row0 = wid * ROWS_PER_TILE

    def macro_body(m, carry):
        r0 = row0 + m * SUBS_PER_MACRO
        pltpu.sync_copy(gidx_hbm.at[pl.ds(r0, SUBS_PER_MACRO)], gbuf)
        pltpu.sync_copy(sidx_hbm.at[pl.ds(r0, SUBS_PER_MACRO)], sbuf)
        pltpu.sync_copy(w_hbm.at[pl.ds(r0, SUBS_PER_MACRO)], wbuf)

        def sub_body(j, inner):
            pltpu.async_copy(xcat_hbm.at[gbuf.at[j]], rows, sem).wait()

            def mul_body(g, acc_):
                wv = wbuf[j, pl.ds(g * LANES, LANES)]
                for l in range(LANES):
                    w = wv[l]
                    e = g * LANES + l
                    for k in range(D_HALF // LANES):
                        sl = pl.ds(k * LANES, LANES)
                        rows[e, sl] = rows[e, sl] * w
                return acc_
            lax.fori_loop(0, SUB // LANES, mul_body, 0)
            wt = wbuf[j, pl.ds(96, 4)]
            for l in range(4):
                w = wt[l]
                for k in range(D_HALF // LANES):
                    sl = pl.ds(k * LANES, LANES)
                    rows[96 + l, sl] = rows[96 + l, sl] * w

            pltpu.sync_copy(rows, acc.at[sbuf.at[j]], add=True)
            pltpu.sync_copy(ones, cnt.at[sbuf.at[j]], add=True)
            return inner
        lax.fori_loop(0, SUBS_PER_MACRO, sub_body, 0)
        return carry
    lax.fori_loop(0, MACROS_PER_TILE, macro_body, 0)

    plsc.subcore_barrier()

    pltpu.sync_copy(acc.at[pl.ds(node0, NODES_PER_TILE)], zbuf)
    pltpu.sync_copy(cnt.at[pl.ds(node0, NODES_PER_TILE)], zcnt)

    def norm_body(i, carry):
        invv = ov / jnp.maximum(zcnt[i, :], 1.0)
        for k in range(D_HALF // LANES):
            sl = pl.ds(k * LANES, LANES)
            zbuf[i, sl] = zbuf[i, sl] * invv
        return carry
    lax.fori_loop(0, NODES_PER_TILE, norm_body, 0)

    @pl.when(s < NUM_SUBCORES - 1)
    def _write_full():
        pltpu.sync_copy(zbuf, out_hbm.at[c, pl.ds(node0, NODES_PER_TILE)])

    @pl.when(s == NUM_SUBCORES - 1)
    def _write_tail():
        pltpu.sync_copy(zbuf.at[pl.ds(0, LAST_TILE_VALID)],
                        out_hbm.at[c, pl.ds(node0, LAST_TILE_VALID)])


@jax.jit
def _prop_conv_sc(xcat, gidx, sidx, wts):
    mesh = plsc.VectorSubcoreMesh(core_axis_name="c", subcore_axis_name="s")
    fn = functools.partial(
        pl.kernel,
        mesh=mesh,
        compiler_params=pltpu.CompilerParams(use_tc_tiling_on_sc=False),
        out_type=jax.ShapeDtypeStruct((NUM_CORES, N_NODES, D_HALF), jnp.float32),
        scratch_types=[
            pltpu.VMEM_SHARED((N_PAD, D_HALF), jnp.float32),
            pltpu.VMEM_SHARED((N_PAD, LANES), jnp.float32),
            pltpu.VMEM((SUBS_PER_MACRO, SUB), jnp.int32),
            pltpu.VMEM((SUBS_PER_MACRO, SUB), jnp.int32),
            pltpu.VMEM((SUBS_PER_MACRO, SUB), jnp.float32),
            pltpu.VMEM((SUB, D_HALF), jnp.float32),
            pltpu.VMEM((SUB, LANES), jnp.float32),
            pltpu.VMEM((NODES_PER_TILE, D_HALF), jnp.float32),
            pltpu.VMEM((NODES_PER_TILE, LANES), jnp.float32),
            pltpu.SemaphoreType.DMA,
        ],
    )(_sc_body)
    return fn(xcat, gidx, sidx, wts)


def kernel(x, edge_index, edge_weight):
    x = x.astype(jnp.float32)
    row = edge_index[0].astype(jnp.int32)
    col = edge_index[1].astype(jnp.int32)
    w = edge_weight.astype(jnp.float32)

    xcat = jnp.concatenate([x[:, :D_HALF], x[:, D_HALF:]], axis=0)
    gidx = jnp.concatenate([col, row + N_NODES]).reshape(EDGE_ROWS, SUB)
    sidx = jnp.concatenate([row, col]).reshape(EDGE_ROWS, SUB)
    wts = jnp.concatenate([w, w]).reshape(EDGE_ROWS, SUB)
    out = _prop_conv_sc(xcat, gidx, sidx, wts)
    return jnp.concatenate([out[0], out[1]], axis=-1)

# --- scband reference (transcript-rebuilt; emitter-appended) ---
"""Pipeline reference for scband-prop-conv-12266426598060 (READ-ONLY COPY).

The authoritative reference and input builder live on the scoring server;
editing this copy changes nothing except your own understanding.
"""

import jax, jax.numpy as jnp
import numpy as np

N_NODES = 10000
N_EDGES = 320000
D_FEAT = 128
D_HALF = D_FEAT // 2  # in_channels halved because add_backward=True


def setup_inputs(seed: int = 0) -> dict:
    key = jax.random.key(seed)
    k1, k2, k3 = jax.random.split(key, 3)
    x = jax.random.normal(k1, (N_NODES, D_FEAT), dtype=jnp.float32)
    edge_index = jax.random.randint(k2, (2, N_EDGES), 0, N_NODES)
    edge_weight = jax.random.uniform(k3, (N_EDGES,), dtype=jnp.float32)
    return {"x": x, "edge_index": edge_index, "edge_weight": edge_weight}


def reference(x, edge_index, edge_weight):
    # adj_t is a sparse [N, N] matrix: row = edge_index[0] (dst rows of adj_t),
    # col = edge_index[1], with values edge_weight.
    # PropConv with add_backward=True, use_edge_weights=True, normalize_weights=True
    # (reduce='mean'):
    #   x_fwd = matmul(adj_t,     x[..., :D_HALF], reduce='mean')
    #   x_bwd = matmul(adj_t.t(), x[..., D_HALF:], reduce='mean')
    # torch_sparse matmul with reduce='mean' computes sum(w_e * x[col_e]) / deg(row)
    row = edge_index[0]
    col = edge_index[1]
    w = edge_weight

    # forward direction: aggregate x[col] into row
    msg_f = x[col, :D_HALF] * w[:, None]
    num_f = jax.ops.segment_sum(msg_f, row, num_segments=N_NODES)
    cnt_f = jax.ops.segment_sum(jnp.ones_like(w), row, num_segments=N_NODES)
    x_fwd = num_f / jnp.clip(cnt_f, 1.0)[:, None]

    # backward direction (adj_t.t()): aggregate x[row] into col
    msg_b = x[row, D_HALF:] * w[:, None]
    num_b = jax.ops.segment_sum(msg_b, col, num_segments=N_NODES)
    cnt_b = jax.ops.segment_sum(jnp.ones_like(w), col, num_segments=N_NODES)
    x_bwd = num_b / jnp.clip(cnt_b, 1.0)[:, None]

    return jnp.concatenate([x_fwd, x_bwd], axis=-1)

if __name__ == "__main__":
    import jax
    _d = setup_inputs()
    print(jax.jit(kernel)(*tuple(_d.values())))

</pallas_src>

<mosaic_0001>
#map = affine_map<(d0, d1) -> (0, 0)>
#map1 = affine_map<(d0, d1) -> (0, 0, 0)>
module attributes {stable_mosaic.version = 14 : i64} {
  func.func @_sc_body(%arg0: i32, %arg1: i32, %arg2: memref<20000x64xf32, #tpu.memory_space<hbm>>, %arg3: memref<6400x100xi32, #tpu.memory_space<hbm>>, %arg4: memref<6400x100xi32, #tpu.memory_space<hbm>>, %arg5: memref<6400x100xf32, #tpu.memory_space<hbm>>, %arg6: memref<2x10000x64xf32, #tpu.memory_space<hbm>>, %arg7: memref<10240x64xf32, #tpu.memory_space<vmem_shared>>, %arg8: memref<10240x16xf32, #tpu.memory_space<vmem_shared>>, %arg9: memref<8x100xi32, #tpu.memory_space<vmem>>, %arg10: memref<8x100xi32, #tpu.memory_space<vmem>>, %arg11: memref<8x100xf32, #tpu.memory_space<vmem>>, %arg12: memref<100x64xf32, #tpu.memory_space<vmem>>, %arg13: memref<100x16xf32, #tpu.memory_space<vmem>>, %arg14: memref<640x64xf32, #tpu.memory_space<vmem>>, %arg15: memref<640x16xf32, #tpu.memory_space<vmem>>, %arg16: memref<!tpu.dma_semaphore, #tpu.memory_space<semaphore_mem>>) attributes {dimension_semantics = [#tpu.dimension_semantics<core_parallel>, #tpu.dimension_semantics<subcore_parallel>], iteration_bounds = array<i64: 2, 16>, scalar_prefetch = 0 : i64, scratch_operands = 10 : i64, tpu.core_type = #tpu.core_type<sc_vector_subcore>, window_params = [{transform_indices = #map}, {transform_indices = #map}, {transform_indices = #map}, {transform_indices = #map}, {transform_indices = #map1}]} {
    %mul3A = arith.constant 16 : i32
    %mul3A_0 = arith.muli %arg0, %mul3A : i32
    %add3A = arith.addi %mul3A_0, %arg1 : i32
    %broadcast_in_dim3A = arith.constant 0.000000e+00 : f32
    %broadcast_in_dim3A_1 = vector.broadcast %broadcast_in_dim3A : f32 to vector<16xf32>
    %broadcast_in_dim3A_2 = arith.constant 1.000000e+00 : f32
    %broadcast_in_dim3A_3 = vector.broadcast %broadcast_in_dim3A_2 : f32 to vector<16xf32>
    %scan3A = arith.constant 0 : i32
    %scan3A_4 = arith.constant 0 : i32
    %scan3A_5 = arith.constant 100 : i32
    %scan3A_6 = arith.addi %scan3A_4, %scan3A_5 : i32
    %scan3A_7 = arith.constant 1 : i32
    scf.for %scan3A_38 = %scan3A_4 to %scan3A_6 step %scan3A_7  : i32 {
      %swap3A = arith.index_cast %scan3A_38 : i32 to index
      %swap3A_39 = arith.constant 0 : index
      %swap3A_40 = tpu.vector_load %arg13[%swap3A, %swap3A_39] {strides = array<i32>} : memref<100x16xf32, #tpu.memory_space<vmem>>, vector<1x16xf32>,
      %swap3A_41 = vector.shape_cast %swap3A_40 : vector<1x16xf32> to vector<16xf32>
      %swap3A_42 = vector.shape_cast %broadcast_in_dim3A_3 : vector<16xf32> to vector<1x16xf32>
      tpu.vector_store %arg13[%swap3A, %swap3A_39], %swap3A_42 {strides = array<i32>} : memref<100x16xf32, #tpu.memory_space<vmem>>, vector<1x16xf32>,
    }
    %scan3A_8 = arith.constant 100 : i32
    %scan3A_9 = arith.constant 0 : i32
    %scan3A_10 = arith.constant 0 : i32
    %scan3A_11 = arith.constant 640 : i32
    %scan3A_12 = arith.addi %scan3A_10, %scan3A_11 : i32
    %scan3A_13 = arith.constant 1 : i32
    scf.for %scan3A_38 = %scan3A_10 to %scan3A_12 step %scan3A_13  : i32 {
      %swap3A = arith.index_cast %scan3A_38 : i32 to index
      %swap3A_39 = arith.constant 0 : index
      %swap3A_40 = tpu.vector_load %arg14[%swap3A, %swap3A_39] {strides = array<i32>} : memref<640x64xf32, #tpu.memory_space<vmem>>, vector<1x16xf32>,
      %swap3A_41 = vector.shape_cast %swap3A_40 : vector<1x16xf32> to vector<16xf32>
      %swap3A_42 = vector.shape_cast %broadcast_in_dim3A_1 : vector<16xf32> to vector<1x16xf32>
      tpu.vector_store %arg14[%swap3A, %swap3A_39], %swap3A_42 {strides = array<i32>} : memref<640x64xf32, #tpu.memory_space<vmem>>, vector<1x16xf32>,
      %swap3A_43 = arith.index_cast %scan3A_38 : i32 to index
      %swap3A_44 = arith.constant 16 : index
      %swap3A_45 = tpu.vector_load %arg14[%swap3A_43, %swap3A_44] {strides = array<i32>} : memref<640x64xf32, #tpu.memory_space<vmem>>, vector<1x16xf32>,
      %swap3A_46 = vector.shape_cast %swap3A_45 : vector<1x16xf32> to vector<16xf32>
      %swap3A_47 = vector.shape_cast %broadcast_in_dim3A_1 : vector<16xf32> to vector<1x16xf32>
      tpu.vector_store %arg14[%swap3A_43, %swap3A_44], %swap3A_47 {strides = array<i32>} : memref<640x64xf32, #tpu.memory_space<vmem>>, vector<1x16xf32>,
      %swap3A_48 = arith.index_cast %scan3A_38 : i32 to index
      %swap3A_49 = arith.constant 32 : index
      %swap3A_50 = tpu.vector_load %arg14[%swap3A_48, %swap3A_49] {strides = array<i32>} : memref<640x64xf32, #tpu.memory_space<vmem>>, vector<1x16xf32>,
      %swap3A_51 = vector.shape_cast %swap3A_50 : vector<1x16xf32> to vector<16xf32>
      %swap3A_52 = vector.shape_cast %broadcast_in_dim3A_1 : vector<16xf32> to vector<1x16xf32>
      tpu.vector_store %arg14[%swap3A_48, %swap3A_49], %swap3A_52 {strides = array<i32>} : memref<640x64xf32, #tpu.memory_space<vmem>>, vector<1x16xf32>,
      %swap3A_53 = arith.index_cast %scan3A_38 : i32 to index
      %swap3A_54 = arith.constant 48 : index
      %swap3A_55 = tpu.vector_load %arg14[%swap3A_53, %swap3A_54] {strides = array<i32>} : memref<640x64xf32, #tpu.memory_space<vmem>>, vector<1x16xf32>,
      %swap3A_56 = vector.shape_cast %swap3A_55 : vector<1x16xf32> to vector<16xf32>
      %swap3A_57 = vector.shape_cast %broadcast_in_dim3A_1 : vector<16xf32> to vector<1x16xf32>
      tpu.vector_store %arg14[%swap3A_53, %swap3A_54], %swap3A_57 {strides = array<i32>} : memref<640x64xf32, #tpu.memory_space<vmem>>, vector<1x16xf32>,
      %swap3A_58 = arith.index_cast %scan3A_38 : i32 to index
      %swap3A_59 = arith.constant 0 : index
      %swap3A_60 = tpu.vector_load %arg15[%swap3A_58, %swap3A_59] {strides = array<i32>} : memref<640x16xf32, #tpu.memory_space<vmem>>, vector<1x16xf32>,
      %swap3A_61 = vector.shape_cast %swap3A_60 : vector<1x16xf32> to vector<16xf32>
      %swap3A_62 = vector.shape_cast %broadcast_in_dim3A_1 : vector<16xf32> to vector<1x16xf32>
      tpu.vector_store %arg15[%swap3A_58, %swap3A_59], %swap3A_62 {strides = array<i32>} : memref<640x16xf32, #tpu.memory_space<vmem>>, vector<1x16xf32>,
    }
    %scan3A_14 = arith.constant 640 : i32
    %mul3A_15 = arith.constant 640 : i32
    %mul3A_16 = arith.muli %arg1, %mul3A_15 : i32
    "tpu.region"() ({
      %run_scoped3A = tpu.sem_alloc : memref<!tpu.dma_semaphore, #tpu.memory_space<semaphore_mem>>
      %dma_start3A = arith.constant 0 : i32
      %dma_start3A_38 = tpu.memref_slice %arg7[%mul3A_16, %dma_start3A] : memref<10240x64xf32, #tpu.memory_space<vmem_shared>> -> memref<640x64xf32, #tpu.memory_space<vmem_shared>>
      %dma_start3A_39 = arith.constant 0 : i32
      %dma_start3A_40 = tpu.memref_slice %arg7[%mul3A_16, %dma_start3A_39] : memref<10240x64xf32, #tpu.memory_space<vmem_shared>> -> memref<640x64xf32, #tpu.memory_space<vmem_shared>>
      tpu.enqueue_dma source(%arg14 : memref<640x64xf32, #tpu.memory_space<vmem>>) target(%dma_start3A_40 : memref<640x64xf32, #tpu.memory_space<vmem_shared>>) target_semaphore(%run_scoped3A : memref<!tpu.dma_semaphore, #tpu.memory_space<semaphore_mem>>)
      %dma_wait3A = arith.constant 0 : i32
      %dma_wait3A_41 = tpu.memref_slice %arg7[%mul3A_16, %dma_wait3A] : memref<10240x64xf32, #tpu.memory_space<vmem_shared>> -> memref<640x64xf32, #tpu.memory_space<vmem_shared>>
      %dma_wait3A_42 = arith.constant 0 : i32
      %dma_wait3A_43 = tpu.memref_slice %arg7[%mul3A_16, %dma_wait3A_42] : memref<10240x64xf32, #tpu.memory_space<vmem_shared>> -> memref<640x64xf32, #tpu.memory_space<vmem_shared>>
      tpu.wait_dma2 semaphore(%run_scoped3A : memref<!tpu.dma_semaphore, #tpu.memory_space<semaphore_mem>>) src(%arg14 : memref<640x64xf32, #tpu.memory_space<vmem>>) dst(%dma_wait3A_43 : memref<640x64xf32, #tpu.memory_space<vmem_shared>>)
      tpu.yield
    }) : () -> ()
    "tpu.region"() ({
      %run_scoped3A = tpu.sem_alloc : memref<!tpu.dma_semaphore, #tpu.memory_space<semaphore_mem>>
      %dma_start3A = arith.constant 0 : i32
      %dma_start3A_38 = tpu.memref_slice %arg8[%mul3A_16, %dma_start3A] : memref<10240x16xf32, #tpu.memory_space<vmem_shared>> -> memref<640x16xf32, #tpu.memory_space<vmem_shared>>
      %dma_start3A_39 = arith.constant 0 : i32
      %dma_start3A_40 = tpu.memref_slice %arg8[%mul3A_16, %dma_start3A_39] : memref<10240x16xf32, #tpu.memory_space<vmem_shared>> -> memref<640x16xf32, #tpu.memory_space<vmem_shared>>
      tpu.enqueue_dma source(%arg15 : memref<640x16xf32, #tpu.memory_space<vmem>>) target(%dma_start3A_40 : memref<640x16xf32, #tpu.memory_space<vmem_shared>>) target_semaphore(%run_scoped3A : memref<!tpu.dma_semaphore, #tpu.memory_space<semaphore_mem>>)
      %dma_wait3A = arith.constant 0 : i32
      %dma_wait3A_41 = tpu.memref_slice %arg8[%mul3A_16, %dma_wait3A] : memref<10240x16xf32, #tpu.memory_space<vmem_shared>> -> memref<640x16xf32, #tpu.memory_space<vmem_shared>>
      %dma_wait3A_42 = arith.constant 0 : i32
      %dma_wait3A_43 = tpu.memref_slice %arg8[%mul3A_16, %dma_wait3A_42] : memref<10240x16xf32, #tpu.memory_space<vmem_shared>> -> memref<640x16xf32, #tpu.memory_space<vmem_shared>>
      tpu.wait_dma2 semaphore(%run_scoped3A : memref<!tpu.dma_semaphore, #tpu.memory_space<semaphore_mem>>) src(%arg15 : memref<640x16xf32, #tpu.memory_space<vmem>>) dst(%dma_wait3A_43 : memref<640x16xf32, #tpu.memory_space<vmem_shared>>)
      tpu.yield
    }) : () -> ()
    %barrier3A = arith.constant 0 : index
    tpu.barrier barrier_id(%barrier3A)
    %mul3A_17 = arith.constant 200 : i32
    %mul3A_18 = arith.muli %add3A, %mul3A_17 : i32
    %scan3A_19 = arith.constant 0 : i32
    %scan3A_20 = arith.constant 0 : i32
    %scan3A_21 = arith.constant 25 : i32
    %scan3A_22 = arith.addi %scan3A_20, %scan3A_21 : i32
    %scan3A_23 = arith.constant 1 : i32
    scf.for %scan3A_38 = %scan3A_20 to %scan3A_22 step %scan3A_23  : i32 {
      %mul3A_39 = arith.constant 8 : i32
      %mul3A_40 = arith.muli %scan3A_38, %mul3A_39 : i32
      %add3A_41 = arith.addi %mul3A_18, %mul3A_40 : i32
      "tpu.region"() ({
        %run_scoped3A = tpu.sem_alloc : memref<!tpu.dma_semaphore, #tpu.memory_space<semaphore_mem>>
        %dma_start3A = arith.constant 0 : i32
        %dma_start3A_48 = tpu.memref_slice %arg3[%add3A_41, %dma_start3A] : memref<6400x100xi32, #tpu.memory_space<hbm>> -> memref<8x100xi32, #tpu.memory_space<hbm>>
        %dma_start3A_49 = arith.constant 0 : i32
        %dma_start3A_50 = tpu.memref_slice %arg3[%add3A_41, %dma_start3A_49] : memref<6400x100xi32, #tpu.memory_space<hbm>> -> memref<8x100xi32, #tpu.memory_space<hbm>>
        tpu.enqueue_dma source(%dma_start3A_50 : memref<8x100xi32, #tpu.memory_space<hbm>>) target(%arg9 : memref<8x100xi32, #tpu.memory_space<vmem>>) target_semaphore(%run_scoped3A : memref<!tpu.dma_semaphore, #tpu.memory_space<semaphore_mem>>)
        %dma_wait3A = arith.constant 0 : i32
        %dma_wait3A_51 = tpu.memref_slice %arg3[%add3A_41, %dma_wait3A] : memref<6400x100xi32, #tpu.memory_space<hbm>> -> memref<8x100xi32, #tpu.memory_space<hbm>>
        %dma_wait3A_52 = arith.constant 0 : i32
        %dma_wait3A_53 = tpu.memref_slice %arg3[%add3A_41, %dma_wait3A_52] : memref<6400x100xi32, #tpu.memory_space<hbm>> -> memref<8x100xi32, #tpu.memory_space<hbm>>
        tpu.wait_dma2 semaphore(%run_scoped3A : memref<!tpu.dma_semaphore, #tpu.memory_space<semaphore_mem>>) src(%dma_wait3A_53 : memref<8x100xi32, #tpu.memory_space<hbm>>) dst(%arg9 : memref<8x100xi32, #tpu.memory_space<vmem>>)
        tpu.yield
      }) : () -> ()
      "tpu.region"() ({
        %run_scoped3A = tpu.sem_alloc : memref<!tpu.dma_semaphore, #tpu.memory_space<semaphore_mem>>
        %dma_start3A = arith.constant 0 : i32
        %dma_start3A_48 = tpu.memref_slice %arg4[%add3A_41, %dma_start3A] : memref<6400x100xi32, #tpu.memory_space<hbm>> -> memref<8x100xi32, #tpu.memory_space<hbm>>
        %dma_start3A_49 = arith.constant 0 : i32
        %dma_start3A_50 = tpu.memref_slice %arg4[%add3A_41, %dma_start3A_49] : memref<6400x100xi32, #tpu.memory_space<hbm>> -> memref<8x100xi32, #tpu.memory_space<hbm>>
        tpu.enqueue_dma source(%dma_start3A_50 : memref<8x100xi32, #tpu.memory_space<hbm>>) target(%arg10 : memref<8x100xi32, #tpu.memory_space<vmem>>) target_semaphore(%run_scoped3A : memref<!tpu.dma_semaphore, #tpu.memory_space<semaphore_mem>>)
        %dma_wait3A = arith.constant 0 : i32
        %dma_wait3A_51 = tpu.memref_slice %arg4[%add3A_41, %dma_wait3A] : memref<6400x100xi32, #tpu.memory_space<hbm>> -> memref<8x100xi32, #tpu.memory_space<hbm>>
        %dma_wait3A_52 = arith.constant 0 : i32
        %dma_wait3A_53 = tpu.memref_slice %arg4[%add3A_41, %dma_wait3A_52] : memref<6400x100xi32, #tpu.memory_space<hbm>> -> memref<8x100xi32, #tpu.memory_space<hbm>>
        tpu.wait_dma2 semaphore(%run_scoped3A : memref<!tpu.dma_semaphore, #tpu.memory_space<semaphore_mem>>) src(%dma_wait3A_53 : memref<8x100xi32, #tpu.memory_space<hbm>>) dst(%arg10 : memref<8x100xi32, #tpu.memory_space<vmem>>)
        tpu.yield
      }) : () -> ()
      "tpu.region"() ({
        %run_scoped3A = tpu.sem_alloc : memref<!tpu.dma_semaphore, #tpu.memory_space<semaphore_mem>>
        %dma_start3A = arith.constant 0 : i32
        %dma_start3A_48 = tpu.memref_slice %arg5[%add3A_41, %dma_start3A] : memref<6400x100xf32, #tpu.memory_space<hbm>> -> memref<8x100xf32, #tpu.memory_space<hbm>>
        %dma_start3A_49 = arith.constant 0 : i32
        %dma_start3A_50 = tpu.memref_slice %arg5[%add3A_41, %dma_start3A_49] : memref<6400x100xf32, #tpu.memory_space<hbm>> -> memref<8x100xf32, #tpu.memory_space<hbm>>
        tpu.enqueue_dma source(%dma_start3A_50 : memref<8x100xf32, #tpu.memory_space<hbm>>) target(%arg11 : memref<8x100xf32, #tpu.memory_space<vmem>>) target_semaphore(%run_scoped3A : memref<!tpu.dma_semaphore, #tpu.memory_space<semaphore_mem>>)
        %dma_wait3A = arith.constant 0 : i32
        %dma_wait3A_51 = tpu.memref_slice %arg5[%add3A_41, %dma_wait3A] : memref<6400x100xf32, #tpu.memory_space<hbm>> -> memref<8x100xf32, #tpu.memory_space<hbm>>
        %dma_wait3A_52 = arith.constant 0 : i32
        %dma_wait3A_53 = tpu.memref_slice %arg5[%add3A_41, %dma_wait3A_52] : memref<6400x100xf32, #tpu.memory_space<hbm>> -> memref<8x100xf32, #tpu.memory_space<hbm>>
        tpu.wait_dma2 semaphore(%run_scoped3A : memref<!tpu.dma_semaphore, #tpu.memory_space<semaphore_mem>>) src(%dma_wait3A_53 : memref<8x100xf32, #tpu.memory_space<hbm>>) dst(%arg11 : memref<8x100xf32, #tpu.memory_space<vmem>>)
        tpu.yield
      }) : () -> ()
      %scan3A_42 = arith.constant 0 : i32
      %scan3A_43 = arith.constant 0 : i32
      %scan3A_44 = arith.constant 8 : i32
      %scan3A_45 = arith.addi %scan3A_43, %scan3A_44 : i32
      %scan3A_46 = arith.constant 1 : i32
      scf.for %scan3A_48 = %scan3A_43 to %scan3A_45 step %scan3A_46  : i32 {
        %dma_start3A = arith.constant 0 : i32
        %dma_start3A_49 = tpu.memref_slice %arg9[%scan3A_48, %dma_start3A] : memref<8x100xi32, #tpu.memory_space<vmem>> -> memref<1x100xi32, #tpu.memory_space<vmem>>
        %dma_start3A_50 = tpu.memref_squeeze %dma_start3A_49 : memref<1x100xi32, #tpu.memory_space<vmem>> -> memref<100xi32, #tpu.memory_space<vmem>>
        %dma_start3A_51 = arith.constant 0 : i32
        %dma_start3A_52 = arith.constant 0 : i32
        %dma_start3A_53 = tpu.memref_slice %arg2[%dma_start3A_51, %dma_start3A_52] : memref<20000x64xf32, #tpu.memory_space<hbm>> -> memref<20000x64xf32, #tpu.memory_space<hbm>>
        tpu.enqueue_indirect_dma source(%dma_start3A_53 : memref<20000x64xf32, #tpu.memory_space<hbm>>) target(%arg12 : memref<100x64xf32, #tpu.memory_space<vmem>>) offsets(%dma_start3A_50 : memref<100xi32, #tpu.memory_space<vmem>>) semaphore(%arg16 : memref<!tpu.dma_semaphore, #tpu.memory_space<semaphore_mem>>)
        %dma_wait3A = arith.constant 0 : i32
        %dma_wait3A_54 = tpu.memref_slice %arg9[%scan3A_48, %dma_wait3A] : memref<8x100xi32, #tpu.memory_space<vmem>> -> memref<1x100xi32, #tpu.memory_space<vmem>>
        %dma_wait3A_55 = tpu.memref_squeeze %dma_wait3A_54 : memref<1x100xi32, #tpu.memory_space<vmem>> -> memref<100xi32, #tpu.memory_space<vmem>>
        %dma_wait3A_56 = arith.constant 0 : i32
        %dma_wait3A_57 = arith.constant 0 : i32
        %dma_wait3A_58 = tpu.memref_slice %arg2[%dma_wait3A_56, %dma_wait3A_57] : memref<20000x64xf32, #tpu.memory_space<hbm>> -> memref<20000x64xf32, #tpu.memory_space<hbm>>
        tpu.wait_indirect_dma semaphore(%arg16 : memref<!tpu.dma_semaphore, #tpu.memory_space<semaphore_mem>>) src(%dma_wait3A_58 : memref<20000x64xf32, #tpu.memory_space<hbm>>) dst(%arg12 : memref<100x64xf32, #tpu.memory_space<vmem>>)
        %scan3A_59 = arith.constant 0 : i32
        %scan3A_60 = arith.constant 0 : i32
        %scan3A_61 = arith.constant 6 : i32
        %scan3A_62 = arith.addi %scan3A_60, %scan3A_61 : i32
        %scan3A_63 = arith.constant 1 : i32
        scf.for %scan3A_281 = %scan3A_60 to %scan3A_62 step %scan3A_63  : i32 {
          %mul3A_282 = arith.constant 16 : i32
          %mul3A_283 = arith.muli %scan3A_281, %mul3A_282 : i32
          %get3A_284 = arith.index_cast %scan3A_48 : i32 to index
          %get3A_285 = arith.index_cast %mul3A_283 : i32 to index
          %get3A_286 = tpu.vector_load %arg11[%get3A_284, %get3A_285] {strides = array<i32>} : memref<8x100xf32, #tpu.memory_space<vmem>>, vector<1x16xf32>,
          %get3A_287 = vector.shape_cast %get3A_286 : vector<1x16xf32> to vector<16xf32>
          %slice3A_288 = vector.extract_strided_slice %get3A_287 {offsets = [0], sizes = [1], strides = [1]} : vector<16xf32> to vector<1xf32>
          %squeeze3A_289 = vector.extract %slice3A_288[0] : f32 from vector<1xf32>
          %mul3A_290 = arith.constant 16 : i32
          %mul3A_291 = arith.muli %scan3A_281, %mul3A_290 : i32
          %add3A_292 = arith.constant 0 : i32
          %add3A_293 = arith.addi %mul3A_291, %add3A_292 : i32
          %get3A_294 = arith.index_cast %add3A_293 : i32 to index
          %get3A_295 = arith.constant 0 : index
          %get3A_296 = tpu.vector_load %arg12[%get3A_294, %get3A_295] {strides = array<i32>} : memref<100x64xf32, #tpu.memory_space<vmem>>, vector<1x16xf32>,
          %get3A_297 = vector.shape_cast %get3A_296 : vector<1x16xf32> to vector<16xf32>
          %mul3A_298 = vector.broadcast %squeeze3A_289 : f32 to vector<16xf32>
          %mul3A_299 = arith.mulf %get3A_297, %mul3A_298 : vector<16xf32>
          %swap3A_300 = arith.index_cast %add3A_293 : i32 to index
          %swap3A_301 = arith.constant 0 : index
          %swap3A_302 = tpu.vector_load %arg12[%swap3A_300, %swap3A_301] {strides = array<i32>} : memref<100x64xf32, #tpu.memory_space<vmem>>, vector<1x16xf32>,
          %swap3A_303 = vector.shape_cast %swap3A_302 : vector<1x16xf32> to vector<16xf32>
          %swap3A_304 = vector.shape_cast %mul3A_299 : vector<16xf32> to vector<1x16xf32>
          tpu.vector_store %arg12[%swap3A_300, %swap3A_301], %swap3A_304 {strides = array<i32>} : memref<100x64xf32, #tpu.memory_space<vmem>>, vector<1x16xf32>,
          %get3A_305 = arith.index_cast %add3A_293 : i32 to index
          %get3A_306 = arith.constant 16 : index
          %get3A_307 = tpu.vector_load %arg12[%get3A_305, %get3A_306] {strides = array<i32>} : memref<100x64xf32, #tpu.memory_space<vmem>>, vector<1x16xf32>,
          %get3A_308 = vector.shape_cast %get3A_307 : vector<1x16xf32> to vector<16xf32>
          %mul3A_309 = vector.broadcast %squeeze3A_289 : f32 to vector<16xf32>
          %mul3A_310 = arith.mulf %get3A_308, %mul3A_309 : vector<16xf32>
          %swap3A_311 = arith.index_cast %add3A_293 : i32 to index
          %swap3A_312 = arith.constant 16 : index
          %swap3A_313 = tpu.vector_load %arg12[%swap3A_311, %swap3A_312] {strides = array<i32>} : memref<100x64xf32, #tpu.memory_space<vmem>>, vector<1x16xf32>,
          %swap3A_314 = vector.shape_cast %swap3A_313 : vector<1x16xf32> to vector<16xf32>
          %swap3A_315 = vector.shape_cast %mul3A_310 : vector<16xf32> to vector<1x16xf32>
          tpu.vector_store %arg12[%swap3A_311, %swap3A_312], %swap3A_315 {strides = array<i32>} : memref<100x64xf32, #tpu.memory_space<vmem>>, vector<1x16xf32>,
          %get3A_316 = arith.index_cast %add3A_293 : i32 to index
          %get3A_317 = arith.constant 32 : index
          %get3A_318 = tpu.vector_load %arg12[%get3A_316, %get3A_317] {strides = array<i32>} : memref<100x64xf32, #tpu.memory_space<vmem>>, vector<1x16xf32>,
          %get3A_319 = vector.shape_cast %get3A_318 : vector<1x16xf32> to vector<16xf32>
          %mul3A_320 = vector.broadcast %squeeze3A_289 : f32 to vector<16xf32>
          %mul3A_321 = arith.mulf %get3A_319, %mul3A_320 : vector<16xf32>
          %swap3A_322 = arith.index_cast %add3A_293 : i32 to index
          %swap3A_323 = arith.constant 32 : index
          %swap3A_324 = tpu.vector_load %arg12[%swap3A_322, %swap3A_323] {strides = array<i32>} : memref<100x64xf32, #tpu.memory_space<vmem>>, vector<1x16xf32>,
          %swap3A_325 = vector.shape_cast %swap3A_324 : vector<1x16xf32> to vector<16xf32>
          %swap3A_326 = vector.shape_cast %mul3A_321 : vector<16xf32> to vector<1x16xf32>
          tpu.vector_store %arg12[%swap3A_322, %swap3A_323], %swap3A_326 {strides = array<i32>} : memref<100x64xf32, #tpu.memory_space<vmem>>, vector<1x16xf32>,
          %get3A_327 = arith.index_cast %add3A_293 : i32 to index
          %get3A_328 = arith.constant 48 : index
          %get3A_329 = tpu.vector_load %arg12[%get3A_327, %get3A_328] {strides = array<i32>} : memref<100x64xf32, #tpu.memory_space<vmem>>, vector<1x16xf32>,
          %get3A_330 = vector.shape_cast %get3A_329 : vector<1x16xf32> to vector<16xf32>
          %mul3A_331 = vector.broadcast %squeeze3A_289 : f32 to vector<16xf32>
          %mul3A_332 = arith.mulf %get3A_330, %mul3A_331 : vector<16xf32>
          %swap3A_333 = arith.index_cast %add3A_293 : i32 to index
          %swap3A_334 = arith.constant 48 : index
          %swap3A_335 = tpu.vector_load %arg12[%swap3A_333, %swap3A_334] {strides = array<i32>} : memref<100x64xf32, #tpu.memory_space<vmem>>, vector<1x16xf32>,
          %swap3A_336 = vector.shape_cast %swap3A_335 : vector<1x16xf32> to vector<16xf32>
          %swap3A_337 = vector.shape_cast %mul3A_332 : vector<16xf32> to vector<1x16xf32>
          tpu.vector_store %arg12[%swap3A_333, %swap3A_334], %swap3A_337 {strides = array<i32>} : memref<100x64xf32, #tpu.memory_space<vmem>>, vector<1x16xf32>,
          %slice3A_338 = vector.extract_strided_slice %get3A_287 {offsets = [1], sizes = [1], strides = [1]} : vector<16xf32> to vector<1xf32>
          %squeeze3A_339 = vector.extract %slice3A_338[0] : f32 from vector<1xf32>
          %mul3A_340 = arith.constant 16 : i32
          %mul3A_341 = arith.muli %scan3A_281, %mul3A_340 : i32
          %add3A_342 = arith.constant 1 : i32
          %add3A_343 = arith.addi %mul3A_341, %add3A_342 : i32
          %get3A_344 = arith.index_cast %add3A_343 : i32 to index
          %get3A_345 = arith.constant 0 : index
          %get3A_346 = tpu.vector_load %arg12[%get3A_344, %get3A_345] {strides = array<i32>} : memref<100x64xf32, #tpu.memory_space<vmem>>, vector<1x16xf32>,
          %get3A_347 = vector.shape_cast %get3A_346 : vector<1x16xf32> to vector<16xf32>
          %mul3A_348 = vector.broadcast %squeeze3A_339 : f32 to vector<16xf32>
          %mul3A_349 = arith.mulf %get3A_347, %mul3A_348 : vector<16xf32>
          %swap3A_350 = arith.index_cast %add3A_343 : i32 to index
          %swap3A_351 = arith.constant 0 : index
          %swap3A_352 = tpu.vector_load %arg12[%swap3A_350, %swap3A_351] {strides = array<i32>} : memref<100x64xf32, #tpu.memory_space<vmem>>, vector<1x16xf32>,
          %swap3A_353 = vector.shape_cast %swap3A_352 : vector<1x16xf32> to vector<16xf32>
          %swap3A_354 = vector.shape_cast %mul3A_349 : vector<16xf32> to vector<1x16xf32>
          tpu.vector_store %arg12[%swap3A_350, %swap3A_351], %swap3A_354 {strides = array<i32>} : memref<100x64xf32, #tpu.memory_space<vmem>>, vector<1x16xf32>,
          %get3A_355 = arith.index_cast %add3A_343 : i32 to index
          %get3A_356 = arith.constant 16 : index
          %get3A_357 = tpu.vector_load %arg12[%get3A_355, %get3A_356] {strides = array<i32>} : memref<100x64xf32, #tpu.memory_space<vmem>>, vector<1x16xf32>,
          %get3A_358 = vector.shape_cast %get3A_357 : vector<1x16xf32> to vector<16xf32>
          %mul3A_359 = vector.broadcast %squeeze3A_339 : f32 to vector<16xf32>
          %mul3A_360 = arith.mulf %get3A_358, %mul3A_359 : vector<16xf32>
          %swap3A_361 = arith.index_cast %add3A_343 : i32 to index
          %swap3A_362 = arith.constant 16 : index
          %swap3A_363 = tpu.vector_load %arg12[%swap3A_361, %swap3A_362] {strides = array<i32>} : memref<100x64xf32, #tpu.memory_space<vmem>>, vector<1x16xf32>,
          %swap3A_364 = vector.shape_cast %swap3A_363 : vector<1x16xf32> to vector<16xf32>
          %swap3A_365 = vector.shape_cast %mul3A_360 : vector<16xf32> to vector<1x16xf32>
          tpu.vector_store %arg12[%swap3A_361, %swap3A_362], %swap3A_365 {strides = array<i32>} : memref<100x64xf32, #tpu.memory_space<vmem>>, vector<1x16xf32>,
          %get3A_366 = arith.index_cast %add3A_343 : i32 to index
          %get3A_367 = arith.constant 32 : index
          %get3A_368 = tpu.vector_load %arg12[%get3A_366, %get3A_367] {strides = array<i32>} : memref<100x64xf32, #tpu.memory_space<vmem>>, vector<1x16xf32>,
          %get3A_369 = vector.shape_cast %get3A_368 : vector<1x16xf32> to vector<16xf32>
          %mul3A_370 = vector.broadcast %squeeze3A_339 : f32 to vector<16xf32>
          %mul3A_371 = arith.mulf %get3A_369, %mul3A_370 : vector<16xf32>
          %swap3A_372 = arith.index_cast %add3A_343 : i32 to index
          %swap3A_373 = arith.constant 32 : index
          %swap3A_374 = tpu.vector_load %arg12[%swap3A_372, %swap3A_373] {strides = array<i32>} : memref<100x64xf32, #tpu.memory_space<vmem>>, vector<1x16xf32>,
          %swap3A_375 = vector.shape_cast %swap3A_374 : vector<1x16xf32> to vector<16xf32>
          %swap3A_376 = vector.shape_cast %mul3A_371 : vector<16xf32> to vector<1x16xf32>
          tpu.vector_store %arg12[%swap3A_372, %swap3A_373], %swap3A_376 {strides = array<i32>} : memref<100x64xf32, #tpu.memory_space<vmem>>, vector<1x16xf32>,
          %get3A_377 = arith.index_cast %add3A_343 : i32 to index
          %get3A_378 = arith.constant 48 : index
          %get3A_379 = tpu.vector_load %arg12[%get3A_377, %get3A_378] {strides = array<i32>} : memref<100x64xf32, #tpu.memory_space<vmem>>, vector<1x16xf32>,
          %get3A_380 = vector.shape_cast %get3A_379 : vector<1x16xf32> to vector<16xf32>
          %mul3A_381 = vector.broadcast %squeeze3A_339 : f32 to vector<16xf32>
          %mul3A_382 = arith.mulf %get3A_380, %mul3A_381 : vector<16xf32>
          %swap3A_383 = arith.index_cast %add3A_343 : i32 to index
          %swap3A_384 = arith.constant 48 : index
          %swap3A_385 = tpu.vector_load %arg12[%swap3A_383, %swap3A_384] {strides = array<i32>} : memref<100x64xf32, #tpu.memory_space<vmem>>, vector<1x16xf32>,
          %swap3A_386 = vector.shape_cast %swap3A_385 : vector<1x16xf32> to vector<16xf32>
          %swap3A_387 = vector.shape_cast %mul3A_382 : vector<16xf32> to vector<1x16xf32>
          tpu.vector_store %arg12[%swap3A_383, %swap3A_384], %swap3A_387 {strides = array<i32>} : memref<100x64xf32, #tpu.memory_space<vmem>>, vector<1x16xf32>,
          %slice3A_388 = vector.extract_strided_slice %get3A_287 {offsets = [2], sizes = [1], strides = [1]} : vector<16xf32> to vector<1xf32>
          %squeeze3A_389 = vector.extract %slice3A_388[0] : f32 from vector<1xf32>
          %mul3A_390 = arith.constant 16 : i32
          %mul3A_391 = arith.muli %scan3A_281, %mul3A_390 : i32
          %add3A_392 = arith.constant 2 : i32
          %add3A_393 = arith.addi %mul3A_391, %add3A_392 : i32
          %get3A_394 = arith.index_cast %add3A_393 : i32 to index
          %get3A_395 = arith.constant 0 : index
          %get3A_396 = tpu.vector_load %arg12[%get3A_394, %get3A_395] {strides = array<i32>} : memref<100x64xf32, #tpu.memory_space<vmem>>, vector<1x16xf32>,
          %get3A_397 = vector.shape_cast %get3A_396 : vector<1x16xf32> to vector<16xf32>
          %mul3A_398 = vector.broadcast %squeeze3A_389 : f32 to vector<16xf32>
          %mul3A_399 = arith.mulf %get3A_397, %mul3A_398 : vector<16xf32>
          %swap3A_400 = arith.index_cast %add3A_393 : i32 to index
          %swap3A_401 = arith.constant 0 : index
          %swap3A_402 = tpu.vector_load %arg12[%swap3A_400, %swap3A_401] {strides = array<i32>} : memref<100x64xf32, #tpu.memory_space<vmem>>, vector<1x16xf32>,
          %swap3A_403 = vector.shape_cast %swap3A_402 : vector<1x16xf32> to vector<16xf32>
          %swap3A_404 = vector.shape_cast %mul3A_399 : vector<16xf32> to vector<1x16xf32>
          tpu.vector_store %arg12[%swap3A_400, %swap3A_401], %swap3A_404 {strides = array<i32>} : memref<100x64xf32, #tpu.memory_space<vmem>>, vector<1x16xf32>,
          %get3A_405 = arith.index_cast %add3A_393 : i32 to index
          %get3A_406 = arith.constant 16 : index
          %get3A_407 = tpu.vector_load %arg12[%get3A_405, %get3A_406] {strides = array<i32>} : memref<100x64xf32, #tpu.memory_space<vmem>>, vector<1x16xf32>,
          %get3A_408 = vector.shape_cast %get3A_407 : vector<1x16xf32> to vector<16xf32>
          %mul3A_409 = vector.broadcast %squeeze3A_389 : f32 to vector<16xf32>
          %mul3A_410 = arith.mulf %get3A_408, %mul3A_409 : vector<16xf32>
          %swap3A_411 = arith.index_cast %add3A_393 : i32 to index
          %swap3A_412 = arith.constant 16 : index
          %swap3A_413 = tpu.vector_load %arg12[%swap3A_411, %swap3A_412] {strides = array<i32>} : memref<100x64xf32, #tpu.memory_space<vmem>>, vector<1x16xf32>,
          %swap3A_414 = vector.shape_cast %swap3A_413 : vector<1x16xf32> to vector<16xf32>
          %swap3A_415 = vector.shape_cast %mul3A_410 : vector<16xf32> to vector<1x16xf32>
          tpu.vector_store %arg12[%swap3A_411, %swap3A_412], %swap3A_415 {strides = array<i32>} : memref<100x64xf32, #tpu.memory_space<vmem>>, vector<1x16xf32>,
          %get3A_416 = arith.index_cast %add3A_393 : i32 to index
          %get3A_417 = arith.constant 32 : index
          %get3A_418 = tpu.vector_load %arg12[%get3A_416, %get3A_417] {strides = array<i32>} : memref<100x64xf32, #tpu.memory_space<vmem>>, vector<1x16xf32>,
          %get3A_419 = vector.shape_cast %get3A_418 : vector<1x16xf32> to vector<16xf32>
          %mul3A_420 = vector.broadcast %squeeze3A_389 : f32 to vector<16xf32>
          %mul3A_421 = arith.mulf %get3A_419, %mul3A_420 : vector<16xf32>
          %swap3A_422 = arith.index_cast %add3A_393 : i32 to index
          %swap3A_423 = arith.constant 32 : index
          %swap3A_424 = tpu.vector_load %arg12[%swap3A_422, %swap3A_423] {strides = array<i32>} : memref<100x64xf32, #tpu.memory_space<vmem>>, vector<1x16xf32>,
          %swap3A_425 = vector.shape_cast %swap3A_424 : vector<1x16xf32> to vector<16xf32>
          %swap3A_426 = vector.shape_cast %mul3A_421 : vector<16xf32> to vector<1x16xf32>
          tpu.vector_store %arg12[%swap3A_422, %swap3A_423], %swap3A_426 {strides = array<i32>} : memref<100x64xf32, #tpu.memory_space<vmem>>, vector<1x16xf32>,
          %get3A_427 = arith.index_cast %add3A_393 : i32 to index
          %get3A_428 = arith.constant 48 : index
          %get3A_429 = tpu.vector_load %arg12[%get3A_427, %get3A_428] {strides = array<i32>} : memref<100x64xf32, #tpu.memory_space<vmem>>, vector<1x16xf32>,
          %get3A_430 = vector.shape_cast %get3A_429 : vector<1x16xf32> to vector<16xf32>
          %mul3A_431 = vector.broadcast %squeeze3A_389 : f32 to vector<16xf32>
          %mul3A_432 = arith.mulf %get3A_430, %mul3A_431 : vector<16xf32>
          %swap3A_433 = arith.index_cast %add3A_393 : i32 to index
          %swap3A_434 = arith.constant 48 : index
          %swap3A_435 = tpu.vector_load %arg12[%swap3A_433, %swap3A_434] {strides = array<i32>} : memref<100x64xf32, #tpu.memory_space<vmem>>, vector<1x16xf32>,
          %swap3A_436 = vector.shape_cast %swap3A_435 : vector<1x16xf32> to vector<16xf32>
          %swap3A_437 = vector.shape_cast %mul3A_432 : vector<16xf32> to vector<1x16xf32>
          tpu.vector_store %arg12[%swap3A_433, %swap3A_434], %swap3A_437 {strides = array<i32>} : memref<100x64xf32, #tpu.memory_space<vmem>>, vector<1x16xf32>,
          %slice3A_438 = vector.extract_strided_slice %get3A_287 {offsets = [3], sizes = [1], strides = [1]} : vector<16xf32> to vector<1xf32>
          %squeeze3A_439 = vector.extract %slice3A_438[0] : f32 from vector<1xf32>
          %mul3A_440 = arith.constant 16 : i32
          %mul3A_441 = arith.muli %scan3A_281, %mul3A_440 : i32
          %add3A_442 = arith.constant 3 : i32
          %add3A_443 = arith.addi %mul3A_441, %add3A_442 : i32
          %get3A_444 = arith.index_cast %add3A_443 : i32 to index
          %get3A_445 = arith.constant 0 : index
          %get3A_446 = tpu.vector_load %arg12[%get3A_444, %get3A_445] {strides = array<i32>} : memref<100x64xf32, #tpu.memory_space<vmem>>, vector<1x16xf32>,
          %get3A_447 = vector.shape_cast %get3A_446 : vector<1x16xf32> to vector<16xf32>
          %mul3A_448 = vector.broadcast %squeeze3A_439 : f32 to vector<16xf32>
          %mul3A_449 = arith.mulf %get3A_447, %mul3A_448 : vector<16xf32>
          %swap3A_450 = arith.index_cast %add3A_443 : i32 to index
          %swap3A_451 = arith.constant 0 : index
          %swap3A_452 = tpu.vector_load %arg12[%swap3A_450, %swap3A_451] {strides = array<i32>} : memref<100x64xf32, #tpu.memory_space<vmem>>, vector<1x16xf32>,
          %swap3A_453 = vector.shape_cast %swap3A_452 : vector<1x16xf32> to vector<16xf32>
          %swap3A_454 = vector.shape_cast %mul3A_449 : vector<16xf32> to vector<1x16xf32>
          tpu.vector_store %arg12[%swap3A_450, %swap3A_451], %swap3A_454 {strides = array<i32>} : memref<100x64xf32, #tpu.memory_space<vmem>>, vector<1x16xf32>,
          %get3A_455 = arith.index_cast %add3A_443 : i32 to index
          %get3A_456 = arith.constant 16 : index
          %get3A_457 = tpu.vector_load %arg12[%get3A_455, %get3A_456] {strides = array<i32>} : memref<100x64xf32, #tpu.memory_space<vmem>>, vector<1x16xf32>,
          %get3A_458 = vector.shape_cast %get3A_457 : vector<1x16xf32> to vector<16xf32>
          %mul3A_459 = vector.broadcast %squeeze3A_439 : f32 to vector<16xf32>
          %mul3A_460 = arith.mulf %get3A_458, %mul3A_459 : vector<16xf32>
          %swap3A_461 = arith.index_cast %add3A_443 : i32 to index
          %swap3A_462 = arith.constant 16 : index
          %swap3A_463 = tpu.vector_load %arg12[%swap3A_461, %swap3A_462] {strides = array<i32>} : memref<100x64xf32, #tpu.memory_space<vmem>>, vector<1x16xf32>,
          %swap3A_464 = vector.shape_cast %swap3A_463 : vector<1x16xf32> to vector<16xf32>
          %swap3A_465 = vector.shape_cast %mul3A_460 : vector<16xf32> to vector<1x16xf32>
          tpu.vector_store %arg12[%swap3A_461, %swap3A_462], %swap3A_465 {strides = array<i32>} : memref<100x64xf32, #tpu.memory_space<vmem>>, vector<1x16xf32>,
          %get3A_466 = arith.index_cast %add3A_443 : i32 to index
          %get3A_467 = arith.constant 32 : index
          %get3A_468 = tpu.vector_load %arg12[%get3A_466, %get3A_467] {strides = array<i32>} : memref<100x64xf32, #tpu.memory_space<vmem>>, vector<1x16xf32>,
          %get3A_469 = vector.shape_cast %get3A_468 : vector<1x16xf32> to vector<16xf32>
          %mul3A_470 = vector.broadcast %squeeze3A_439 : f32 to vector<16xf32>
          %mul3A_471 = arith.mulf %get3A_469, %mul3A_470 : vector<16xf32>
          %swap3A_472 = arith.index_cast %add3A_443 : i32 to index
          %swap3A_473 = arith.constant 32 : index
          %swap3A_474 = tpu.vector_load %arg12[%swap3A_472, %swap3A_473] {strides = array<i32>} : memref<100x64xf32, #tpu.memory_space<vmem>>, vector<1x16xf32>,
          %swap3A_475 = vector.shape_cast %swap3A_474 : vector<1x16xf32> to vector<16xf32>
          %swap3A_476 = vector.shape_cast %mul3A_471 : vector<16xf32> to vector<1x16xf32>
          tpu.vector_store %arg12[%swap3A_472, %swap3A_473], %swap3A_476 {strides = array<i32>} : memref<100x64xf32, #tpu.memory_space<vmem>>, vector<1x16xf32>,
          %get3A_477 = arith.index_cast %add3A_443 : i32 to index
          %get3A_478 = arith.constant 48 : index
          %get3A_479 = tpu.vector_load %arg12[%get3A_477, %get3A_478] {strides = array<i32>} : memref<100x64xf32, #tpu.memory_space<vmem>>, vector<1x16xf32>,
          %get3A_480 = vector.shape_cast %get3A_479 : vector<1x16xf32> to vector<16xf32>
          %mul3A_481 = vector.broadcast %squeeze3A_439 : f32 to vector<16xf32>
          %mul3A_482 = arith.mulf %get3A_480, %mul3A_481 : vector<16xf32>
          %swap3A_483 = arith.index_cast %add3A_443 : i32 to index
          %swap3A_484 = arith.constant 48 : index
          %swap3A_485 = tpu.vector_load %arg12[%swap3A_483, %swap3A_484] {strides = array<i32>} : memref<100x64xf32, #tpu.memory_space<vmem>>, vector<1x16xf32>,
          %swap3A_486 = vector.shape_cast %swap3A_485 : vector<1x16xf32> to vector<16xf32>
          %swap3A_487 = vector.shape_cast %mul3A_482 : vector<16xf32> to vector<1x16xf32>
          tpu.vector_store %arg12[%swap3A_483, %swap3A_484], %swap3A_487 {strides = array<i32>} : memref<100x64xf32, #tpu.memory_space<vmem>>, vector<1x16xf32>,
          %slice3A_488 = vector.extract_strided_slice %get3A_287 {offsets = [4], sizes = [1], strides = [1]} : vector<16xf32> to vector<1xf32>
          %squeeze3A_489 = vector.extract %slice3A_488[0] : f32 from vector<1xf32>
          %mul3A_490 = arith.constant 16 : i32
          %mul3A_491 = arith.muli %scan3A_281, %mul3A_490 : i32
          %add3A_492 = arith.constant 4 : i32
          %add3A_493 = arith.addi %mul3A_491, %add3A_492 : i32
          %get3A_494 = arith.index_cast %add3A_493 : i32 to index
          %get3A_495 = arith.constant 0 : index
          %get3A_496 = tpu.vector_load %arg12[%get3A_494, %get3A_495] {strides = array<i32>} : memref<100x64xf32, #tpu.memory_space<vmem>>, vector<1x16xf32>,
          %get3A_497 = vector.shape_cast %get3A_496 : vector<1x16xf32> to vector<16xf32>
          %mul3A_498 = vector.broadcast %squeeze3A_489 : f32 to vector<16xf32>
          %mul3A_499 = arith.mulf %get3A_497, %mul3A_498 : vector<16xf32>
          %swap3A_500 = arith.index_cast %add3A_493 : i32 to index
          %swap3A_501 = arith.constant 0 : index
          %swap3A_502 = tpu.vector_load %arg12[%swap3A_500, %swap3A_501] {strides = array<i32>} : memref<100x64xf32, #tpu.memory_space<vmem>>, vector<1x16xf32>,
          %swap3A_503 = vector.shape_cast %swap3A_502 : vector<1x16xf32> to vector<16xf32>
          %swap3A_504 = vector.shape_cast %mul3A_499 : vector<16xf32> to vector<1x16xf32>
          tpu.vector_store %arg12[%swap3A_500, %swap3A_501], %swap3A_504 {strides = array<i32>} : memref<100x64xf32, #tpu.memory_space<vmem>>, vector<1x16xf32>,
          %get3A_505 = arith.index_cast %add3A_493 : i32 to index
          %get3A_506 = arith.constant 16 : index
          %get3A_507 = tpu.vector_load %arg12[%get3A_505, %get3A_506] {strides = array<i32>} : memref<100x64xf32, #tpu.memory_space<vmem>>, vector<1x16xf32>,
          %get3A_508 = vector.shape_cast %get3A_507 : vector<1x16xf32> to vector<16xf32>
          %mul3A_509 = vector.broadcast %squeeze3A_489 : f32 to vector<16xf32>
          %mul3A_510 = arith.mulf %get3A_508, %mul3A_509 : vector<16xf32>
          %swap3A_511 = arith.index_cast %add3A_493 : i32 to index
          %swap3A_512 = arith.constant 16 : index
          %swap3A_513 = tpu.vector_load %arg12[%swap3A_511, %swap3A_512] {strides = array<i32>} : memref<100x64xf32, #tpu.memory_space<vmem>>, vector<1x16xf32>,
          %swap3A_514 = vector.shape_cast %swap3A_513 : vector<1x16xf32> to vector<16xf32>
          %swap3A_515 = vector.shape_cast %mul3A_510 : vector<16xf32> to vector<1x16xf32>
          tpu.vector_store %arg12[%swap3A_511, %swap3A_512], %swap3A_515 {strides = array<i32>} : memref<100x64xf32, #tpu.memory_space<vmem>>, vector<1x16xf32>,
          %get3A_516 = arith.index_cast %add3A_493 : i32 to index
          %get3A_517 = arith.constant 32 : index
          %get3A_518 = tpu.vector_load %arg12[%get3A_516, %get3A_517] {strides = array<i32>} : memref<100x64xf32, #tpu.memory_space<vmem>>, vector<1x16xf32>,
          %get3A_519 = vector.shape_cast %get3A_518 : vector<1x16xf32> to vector<16xf32>
          %mul3A_520 = vector.broadcast %squeeze3A_489 : f32 to vector<16xf32>
          %mul3A_521 = arith.mulf %get3A_519, %mul3A_520 : vector<16xf32>
          %swap3A_522 = arith.index_cast %add3A_493 : i32 to index
          %swap3A_523 = arith.constant 32 : index
          %swap3A_524 = tpu.vector_load %arg12[%swap3A_522, %swap3A_523] {strides = array<i32>} : memref<100x64xf32, #tpu.memory_space<vmem>>, vector<1x16xf32>,
          %swap3A_525 = vector.shape_cast %swap3A_524 : vector<1x16xf32> to vector<16xf32>
          %swap3A_526 = vector.shape_cast %mul3A_521 : vector<16xf32> to vector<1x16xf32>
          tpu.vector_store %arg12[%swap3A_522, %swap3A_523], %swap3A_526 {strides = array<i32>} : memref<100x64xf32, #tpu.memory_space<vmem>>, vector<1x16xf32>,
          %get3A_527 = arith.index_cast %add3A_493 : i32 to index
          %get3A_528 = arith.constant 48 : index
          %get3A_529 = tpu.vector_load %arg12[%get3A_527, %get3A_528] {strides = array<i32>} : memref<100x64xf32, #tpu.memory_space<vmem>>, vector<1x16xf32>,
          %get3A_530 = vector.shape_cast %get3A_529 : vector<1x16xf32> to vector<16xf32>
          %mul3A_531 = vector.broadcast %squeeze3A_489 : f32 to vector<16xf32>
          %mul3A_532 = arith.mulf %get3A_530, %mul3A_531 : vector<16xf32>
          %swap3A_533 = arith.index_cast %add3A_493 : i32 to index
          %swap3A_534 = arith.constant 48 : index
          %swap3A_535 = tpu.vector_load %arg12[%swap3A_533, %swap3A_534] {strides = array<i32>} : memref<100x64xf32, #tpu.memory_space<vmem>>, vector<1x16xf32>,
          %swap3A_536 = vector.shape_cast %swap3A_535 : vector<1x16xf32> to vector<16xf32>
          %swap3A_537 = vector.shape_cast %mul3A_532 : vector<16xf32> to vector<1x16xf32>
          tpu.vector_store %arg12[%swap3A_533, %swap3A_534], %swap3A_537 {strides = array<i32>} : memref<100x64xf32, #tpu.memory_space<vmem>>, vector<1x16xf32>,
          %slice3A_538 = vector.extract_strided_slice %get3A_287 {offsets = [5], sizes = [1], strides = [1]} : vector<16xf32> to vector<1xf32>
          %squeeze3A_539 = vector.extract %slice3A_538[0] : f32 from vector<1xf32>
          %mul3A_540 = arith.constant 16 : i32
          %mul3A_541 = arith.muli %scan3A_281, %mul3A_540 : i32
          %add3A_542 = arith.constant 5 : i32
          %add3A_543 = arith.addi %mul3A_541, %add3A_542 : i32
          %get3A_544 = arith.index_cast %add3A_543 : i32 to index
          %get3A_545 = arith.constant 0 : index
          %get3A_546 = tpu.vector_load %arg12[%get3A_544, %get3A_545] {strides = array<i32>} : memref<100x64xf32, #tpu.memory_space<vmem>>, vector<1x16xf32>,
          %get3A_547 = vector.shape_cast %get3A_546 : vector<1x16xf32> to vector<16xf32>
          %mul3A_548 = vector.broadcast %squeeze3A_539 : f32 to vector<16xf32>
          %mul3A_549 = arith.mulf %get3A_547, %mul3A_548 : vector<16xf32>
          %swap3A_550 = arith.index_cast %add3A_543 : i32 to index
          %swap3A_551 = arith.constant 0 : index
          %swap3A_552 = tpu.vector_load %arg12[%swap3A_550, %swap3A_551] {strides = array<i32>} : memref<100x64xf32, #tpu.memory_space<vmem>>, vector<1x16xf32>,
          %swap3A_553 = vector.shape_cast %swap3A_552 : vector<1x16xf32> to vector<16xf32>
          %swap3A_554 = vector.shape_cast %mul3A_549 : vector<16xf32> to vector<1x16xf32>
          tpu.vector_store %arg12[%swap3A_550, %swap3A_551], %swap3A_554 {strides = array<i32>} : memref<100x64xf32, #tpu.memory_space<vmem>>, vector<1x16xf32>,
          %get3A_555 = arith.index_cast %add3A_543 : i32 to index
          %get3A_556 = arith.constant 16 : index
          %get3A_557 = tpu.vector_load %arg12[%get3A_555, %get3A_556] {strides = array<i32>} : memref<100x64xf32, #tpu.memory_space<vmem>>, vector<1x16xf32>,
          %get3A_558 = vector.shape_cast %get3A_557 : vector<1x16xf32> to vector<16xf32>
          %mul3A_559 = vector.broadcast %squeeze3A_539 : f32 to vector<16xf32>
          %mul3A_560 = arith.mulf %get3A_558, %mul3A_559 : vector<16xf32>
          %swap3A_561 = arith.index_cast %add3A_543 : i32 to index
          %swap3A_562 = arith.constant 16 : index
          %swap3A_563 = tpu.vector_load %arg12[%swap3A_561, %swap3A_562] {strides = array<i32>} : memref<100x64xf32, #tpu.memory_space<vmem>>, vector<1x16xf32>,
          %swap3A_564 = vector.shape_cast %swap3A_563 : vector<1x16xf32> to vector<16xf32>
          %swap3A_565 = vector.shape_cast %mul3A_560 : vector<16xf32> to vector<1x16xf32>
          tpu.vector_store %arg12[%swap3A_561, %swap3A_562], %swap3A_565 {strides = array<i32>} : memref<100x64xf32, #tpu.memory_space<vmem>>, vector<1x16xf32>,
          %get3A_566 = arith.index_cast %add3A_543 : i32 to index
          %get3A_567 = arith.constant 32 : index
          %get3A_568 = tpu.vector_load %arg12[%get3A_566, %get3A_567] {strides = array<i32>} : memref<100x64xf32, #tpu.memory_space<vmem>>, vector<1x16xf32>,
          %get3A_569 = vector.shape_cast %get3A_568 : vector<1x16xf32> to vector<16xf32>
          %mul3A_570 = vector.broadcast %squeeze3A_539 : f32 to vector<16xf32>
          %mul3A_571 = arith.mulf %get3A_569, %mul3A_570 : vector<16xf32>
          %swap3A_572 = arith.index_cast %add3A_543 : i32 to index
          %swap3A_573 = arith.constant 32 : index
          %swap3A_574 = tpu.vector_load %arg12[%swap3A_572, %swap3A_573] {strides = array<i32>} : memref<100x64xf32, #tpu.memory_space<vmem>>, vector<1x16xf32>,
          %swap3A_575 = vector.shape_cast %swap3A_574 : vector<1x16xf32> to vector<16xf32>
          %swap3A_576 = vector.shape_cast %mul3A_571 : vector<16xf32> to vector<1x16xf32>
          tpu.vector_store %arg12[%swap3A_572, %swap3A_573], %swap3A_576 {strides = array<i32>} : memref<100x64xf32, #tpu.memory_space<vmem>>, vector<1x16xf32>,
          %get3A_577 = arith.index_cast %add3A_543 : i32 to index
          %get3A_578 = arith.constant 48 : index
          %get3A_579 = tpu.vector_load %arg12[%get3A_577, %get3A_578] {strides = array<i32>} : memref<100x64xf32, #tpu.memory_space<vmem>>, vector<1x16xf32>,
          %get3A_580 = vector.shape_cast %get3A_579 : vector<1x16xf32> to vector<16xf32>
          %mul3A_581 = vector.broadcast %squeeze3A_539 : f32 to vector<16xf32>
          %mul3A_582 = arith.mulf %get3A_580, %mul3A_581 : vector<16xf32>
          %swap3A_583 = arith.index_cast %add3A_543 : i32 to index
          %swap3A_584 = arith.constant 48 : index
          %swap3A_585 = tpu.vector_load %arg12[%swap3A_583, %swap3A_584] {strides = array<i32>} : memref<100x64xf32, #tpu.memory_space<vmem>>, vector<1x16xf32>,
          %swap3A_586 = vector.shape_cast %swap3A_585 : vector<1x16xf32> to vector<16xf32>
          %swap3A_587 = vector.shape_cast %mul3A_582 : vector<16xf32> to vector<1x16xf32>
          tpu.vector_store %arg12[%swap3A_583, %swap3A_584], %swap3A_587 {strides = array<i32>} : memref<100x64xf32, #tpu.memory_space<vmem>>, vector<1x16xf32>,
          %slice3A_588 = vector.extract_strided_slice %get3A_287 {offsets = [6], sizes = [1], strides = [1]} : vector<16xf32> to vector<1xf32>
          %squeeze3A_589 = vector.extract %slice3A_588[0] : f32 from vector<1xf32>
          %mul3A_590 = arith.constant 16 : i32
          %mul3A_591 = arith.muli %scan3A_281, %mul3A_590 : i32
          %add3A_592 = arith.constant 6 : i32
          %add3A_593 = arith.addi %mul3A_591, %add3A_592 : i32
          %get3A_594 = arith.index_cast %add3A_593 : i32 to index
          %get3A_595 = arith.constant 0 : index
          %get3A_596 = tpu.vector_load %arg12[%get3A_594, %get3A_595] {strides = array<i32>} : memref<100x64xf32, #tpu.memory_space<vmem>>, vector<1x16xf32>,
          %get3A_597 = vector.shape_cast %get3A_596 : vector<1x16xf32> to vector<16xf32>
          %mul3A_598 = vector.broadcast %squeeze3A_589 : f32 to vector<16xf32>
          %mul3A_599 = arith.mulf %get3A_597, %mul3A_598 : vector<16xf32>
          %swap3A_600 = arith.index_cast %add3A_593 : i32 to index
          %swap3A_601 = arith.constant 0 : index
          %swap3A_602 = tpu.vector_load %arg12[%swap3A_600, %swap3A_601] {strides = array<i32>} : memref<100x64xf32, #tpu.memory_space<vmem>>, vector<1x16xf32>,
          %swap3A_603 = vector.shape_cast %swap3A_602 : vector<1x16xf32> to vector<16xf32>
          %swap3A_604 = vector.shape_cast %mul3A_599 : vector<16xf32> to vector<1x16xf32>
          tpu.vector_store %arg12[%swap3A_600, %swap3A_601], %swap3A_604 {strides = array<i32>} : memref<100x64xf32, #tpu.memory_space<vmem>>, vector<1x16xf32>,
          %get3A_605 = arith.index_cast %add3A_593 : i32 to index
          %get3A_606 = arith.constant 16 : index
          %get3A_607 = tpu.vector_load %arg12[%get3A_605, %get3A_606] {strides = array<i32>} : memref<100x64xf32, #tpu.memory_space<vmem>>, vector<1x16xf32>,
          %get3A_608 = vector.shape_cast %get3A_607 : vector<1x16xf32> to vector<16xf32>
          %mul3A_609 = vector.broadcast %squeeze3A_589 : f32 to vector<16xf32>
          %mul3A_610 = arith.mulf %get3A_608, %mul3A_609 : vector<16xf32>
          %swap3A_611 = arith.index_cast %add3A_593 : i32 to index
          %swap3A_612 = arith.constant 16 : index
          %swap3A_613 = tpu.vector_load %arg12[%swap3A_611, %swap3A_612] {strides = array<i32>} : memref<100x64xf32, #tpu.memory_space<vmem>>, vector<1x16xf32>,
          %swap3A_614 = vector.shape_cast %swap3A_613 : vector<1x16xf32> to vector<16xf32>
          %swap3A_615 = vector.shape_cast %mul3A_610 : vector<16xf32> to vector<1x16xf32>
          tpu.vector_store %arg12[%swap3A_611, %swap3A_612], %swap3A_615 {strides = array<i32>} : memref<100x64xf32, #tpu.memory_space<vmem>>, vector<1x16xf32>,
          %get3A_616 = arith.index_cast %add3A_593 : i32 to index
          %get3A_617 = arith.constant 32 : index
          %get3A_618 = tpu.vector_load %arg12[%get3A_616, %get3A_617] {strides = array<i32>} : memref<100x64xf32, #tpu.memory_space<vmem>>, vector<1x16xf32>,
          %get3A_619 = vector.shape_cast %get3A_618 : vector<1x16xf32> to vector<16xf32>
          %mul3A_620 = vector.broadcast %squeeze3A_589 : f32 to vector<16xf32>
          %mul3A_621 = arith.mulf %get3A_619, %mul3A_620 : vector<16xf32>
          %swap3A_622 = arith.index_cast %add3A_593 : i32 to index
          %swap3A_623 = arith.constant 32 : index
          %swap3A_624 = tpu.vector_load %arg12[%swap3A_622, %swap3A_623] {strides = array<i32>} : memref<100x64xf32, #tpu.memory_space<vmem>>, vector<1x16xf32>,
          %swap3A_625 = vector.shape_cast %swap3A_624 : vector<1x16xf32> to vector<16xf32>
          %swap3A_626 = vector.shape_cast %mul3A_621 : vector<16xf32> to vector<1x16xf32>
          tpu.vector_store %arg12[%swap3A_622, %swap3A_623], %swap3A_626 {strides = array<i32>} : memref<100x64xf32, #tpu.memory_space<vmem>>, vector<1x16xf32>,
          %get3A_627 = arith.index_cast %add3A_593 : i32 to index
          %get3A_628 = arith.constant 48 : index
          %get3A_629 = tpu.vector_load %arg12[%get3A_627, %get3A_628] {strides = array<i32>} : memref<100x64xf32, #tpu.memory_space<vmem>>, vector<1x16xf32>,
          %get3A_630 = vector.shape_cast %get3A_629 : vector<1x16xf32> to vector<16xf32>
          %mul3A_631 = vector.broadcast %squeeze3A_589 : f32 to vector<16xf32>
          %mul3A_632 = arith.mulf %get3A_630, %mul3A_631 : vector<16xf32>
          %swap3A_633 = arith.index_cast %add3A_593 : i32 to index
          %swap3A_634 = arith.constant 48 : index
          %swap3A_635 = tpu.vector_load %arg12[%swap3A_633, %swap3A_634] {strides = array<i32>} : memref<100x64xf32, #tpu.memory_space<vmem>>, vector<1x16xf32>,
          %swap3A_636 = vector.shape_cast %swap3A_635 : vector<1x16xf32> to vector<16xf32>
          %swap3A_637 = vector.shape_cast %mul3A_632 : vector<16xf32> to vector<1x16xf32>
          tpu.vector_store %arg12[%swap3A_633, %swap3A_634], %swap3A_637 {strides = array<i32>} : memref<100x64xf32, #tpu.memory_space<vmem>>, vector<1x16xf32>,
          %slice3A_638 = vector.extract_strided_slice %get3A_287 {offsets = [7], sizes = [1], strides = [1]} : vector<16xf32> to vector<1xf32>
          %squeeze3A_639 = vector.extract %slice3A_638[0] : f32 from vector<1xf32>
          %mul3A_640 = arith.constant 16 : i32
          %mul3A_641 = arith.muli %scan3A_281, %mul3A_640 : i32
          %add3A_642 = arith.constant 7 : i32
          %add3A_643 = arith.addi %mul3A_641, %add3A_642 : i32
          %get3A_644 = arith.index_cast %add3A_643 : i32 to index
          %get3A_645 = arith.constant 0 : index
          %get3A_646 = tpu.vector_load %arg12[%get3A_644, %get3A_645] {strides = array<i32>} : memref<100x64xf32, #tpu.memory_space<vmem>>, vector<1x16xf32>,
          %get3A_647 = vector.shape_cast %get3A_646 : vector<1x16xf32> to vector<16xf32>
          %mul3A_648 = vector.broadcast %squeeze3A_639 : f32 to vector<16xf32>
          %mul3A_649 = arith.mulf %get3A_647, %mul3A_648 : vector<16xf32>
          %swap3A_650 = arith.index_cast %add3A_643 : i32 to index
          %swap3A_651 = arith.constant 0 : index
          %swap3A_652 = tpu.vector_load %arg12[%swap3A_650, %swap3A_651] {strides = array<i32>} : memref<100x64xf32, #tpu.memory_space<vmem>>, vector<1x16xf32>,
          %swap3A_653 = vector.shape_cast %swap3A_652 : vector<1x16xf32> to vector<16xf32>
          %swap3A_654 = vector.shape_cast %mul3A_649 : vector<16xf32> to vector<1x16xf32>
          tpu.vector_store %arg12[%swap3A_650, %swap3A_651], %swap3A_654 {strides = array<i32>} : memref<100x64xf32, #tpu.memory_space<vmem>>, vector<1x16xf32>,
          %get3A_655 = arith.index_cast %add3A_643 : i32 to index
          %get3A_656 = arith.constant 16 : index
          %get3A_657 = tpu.vector_load %arg12[%get3A_655, %get3A_656] {strides = array<i32>} : memref<100x64xf32, #tpu.memory_space<vmem>>, vector<1x16xf32>,
          %get3A_658 = vector.shape_cast %get3A_657 : vector<1x16xf32> to vector<16xf32>
          %mul3A_659 = vector.broadcast %squeeze3A_639 : f32 to vector<16xf32>
          %mul3A_660 = arith.mulf %get3A_658, %mul3A_659 : vector<16xf32>
          %swap3A_661 = arith.index_cast %add3A_643 : i32 to index
          %swap3A_662 = arith.constant 16 : index
          %swap3A_663 = tpu.vector_load %arg12[%swap3A_661, %swap3A_662] {strides = array<i32>} : memref<100x64xf32, #tpu.memory_space<vmem>>, vector<1x16xf32>,
          %swap3A_664 = vector.shape_cast %swap3A_663 : vector<1x16xf32> to vector<16xf32>
          %swap3A_665 = vector.shape_cast %mul3A_660 : vector<16xf32> to vector<1x16xf32>
          tpu.vector_store %arg12[%swap3A_661, %swap3A_662], %swap3A_665 {strides = array<i32>} : memref<100x64xf32, #tpu.memory_space<vmem>>, vector<1x16xf32>,
          %get3A_666 = arith.index_cast %add3A_643 : i32 to index
          %get3A_667 = arith.constant 32 : index
          %get3A_668 = tpu.vector_load %arg12[%get3A_666, %get3A_667] {strides = array<i32>} : memref<100x64xf32, #tpu.memory_space<vmem>>, vector<1x16xf32>,
          %get3A_669 = vector.shape_cast %get3A_668 : vector<1x16xf32> to vector<16xf32>
          %mul3A_670 = vector.broadcast %squeeze3A_639 : f32 to vector<16xf32>
          %mul3A_671 = arith.mulf %get3A_669, %mul3A_670 : vector<16xf32>
          %swap3A_672 = arith.index_cast %add3A_643 : i32 to index
          %swap3A_673 = arith.constant 32 : index
          %swap3A_674 = tpu.vector_load %arg12[%swap3A_672, %swap3A_673] {strides = array<i32>} : memref<100x64xf32, #tpu.memory_space<vmem>>, vector<1x16xf32>,
          %swap3A_675 = vector.shape_cast %swap3A_674 : vector<1x16xf32> to vector<16xf32>
          %swap3A_676 = vector.shape_cast %mul3A_671 : vector<16xf32> to vector<1x16xf32>
          tpu.vector_store %arg12[%swap3A_672, %swap3A_673], %swap3A_676 {strides = array<i32>} : memref<100x64xf32, #tpu.memory_space<vmem>>, vector<1x16xf32>,
          %get3A_677 = arith.index_cast %add3A_643 : i32 to index
          %get3A_678 = arith.constant 48 : index
          %get3A_679 = tpu.vector_load %arg12[%get3A_677, %get3A_678] {strides = array<i32>} : memref<100x64xf32, #tpu.memory_space<vmem>>, vector<1x16xf32>,
          %get3A_680 = vector.shape_cast %get3A_679 : vector<1x16xf32> to vector<16xf32>
          %mul3A_681 = vector.broadcast %squeeze3A_639 : f32 to vector<16xf32>
          %mul3A_682 = arith.mulf %get3A_680, %mul3A_681 : vector<16xf32>
          %swap3A_683 = arith.index_cast %add3A_643 : i32 to index
          %swap3A_684 = arith.constant 48 : index
          %swap3A_685 = tpu.vector_load %arg12[%swap3A_683, %swap3A_684] {strides = array<i32>} : memref<100x64xf32, #tpu.memory_space<vmem>>, vector<1x16xf32>,
          %swap3A_686 = vector.shape_cast %swap3A_685 : vector<1x16xf32> to vector<16xf32>
          %swap3A_687 = vector.shape_cast %mul3A_682 : vector<16xf32> to vector<1x16xf32>
          tpu.vector_store %arg12[%swap3A_683, %swap3A_684], %swap3A_687 {strides = array<i32>} : memref<100x64xf32, #tpu.memory_space<vmem>>, vector<1x16xf32>,
          %slice3A_688 = vector.extract_strided_slice %get3A_287 {offsets = [8], sizes = [1], strides = [1]} : vector<16xf32> to vector<1xf32>
          %squeeze3A_689 = vector.extract %slice3A_688[0] : f32 from vector<1xf32>
          %mul3A_690 = arith.constant 16 : i32
          %mul3A_691 = arith.muli %scan3A_281, %mul3A_690 : i32
          %add3A_692 = arith.constant 8 : i32
          %add3A_693 = arith.addi %mul3A_691, %add3A_692 : i32
          %get3A_694 = arith.index_cast %add3A_693 : i32 to index
          %get3A_695 = arith.constant 0 : index
          %get3A_696 = tpu.vector_load %arg12[%get3A_694, %get3A_695] {strides = array<i32>} : memref<100x64xf32, #tpu.memory_space<vmem>>, vector<1x16xf32>,
          %get3A_697 = vector.shape_cast %get3A_696 : vector<1x16xf32> to vector<16xf32>
          %mul3A_698 = vector.broadcast %squeeze3A_689 : f32 to vector<16xf32>
          %mul3A_699 = arith.mulf %get3A_697, %mul3A_698 : vector<16xf32>
          %swap3A_700 = arith.index_cast %add3A_693 : i32 to index
          %swap3A_701 = arith.constant 0 : index
          %swap3A_702 = tpu.vector_load %arg12[%swap3A_700, %swap3A_701] {strides = array<i32>} : memref<100x64xf32, #tpu.memory_space<vmem>>, vector<1x16xf32>,
          %swap3A_703 = vector.shape_cast %swap3A_702 : vector<1x16xf32> to vector<16xf32>
          %swap3A_704 = vector.shape_cast %mul3A_699 : vector<16xf32> to vector<1x16xf32>
          tpu.vector_store %arg12[%swap3A_700, %swap3A_701], %swap3A_704 {strides = array<i32>} : memref<100x64xf32, #tpu.memory_space<vmem>>, vector<1x16xf32>,
          %get3A_705 = arith.index_cast %add3A_693 : i32 to index
          %get3A_706 = arith.constant 16 : index
          %get3A_707 = tpu.vector_load %arg12[%get3A_705, %get3A_706] {strides = array<i32>} : memref<100x64xf32, #tpu.memory_space<vmem>>, vector<1x16xf32>,
          %get3A_708 = vector.shape_cast %get3A_707 : vector<1x16xf32> to vector<16xf32>
          %mul3A_709 = vector.broadcast %squeeze3A_689 : f32 to vector<16xf32>
          %mul3A_710 = arith.mulf %get3A_708, %mul3A_709 : vector<16xf32>
          %swap3A_711 = arith.index_cast %add3A_693 : i32 to index
          %swap3A_712 = arith.constant 16 : index
          %swap3A_713 = tpu.vector_load %arg12[%swap3A_711, %swap3A_712] {strides = array<i32>} : memref<100x64xf32, #tpu.memory_space<vmem>>, vector<1x16xf32>,
          %swap3A_714 = vector.shape_cast %swap3A_713 : vector<1x16xf32> to vector<16xf32>
          %swap3A_715 = vector.shape_cast %mul3A_710 : vector<16xf32> to vector<1x16xf32>
          tpu.vector_store %arg12[%swap3A_711, %swap3A_712], %swap3A_715 {strides = array<i32>} : memref<100x64xf32, #tpu.memory_space<vmem>>, vector<1x16xf32>,
          %get3A_716 = arith.index_cast %add3A_693 : i32 to index
          %get3A_717 = arith.constant 32 : index
          %get3A_718 = tpu.vector_load %arg12[%get3A_716, %get3A_717] {strides = array<i32>} : memref<100x64xf32, #tpu.memory_space<vmem>>, vector<1x16xf32>,
          %get3A_719 = vector.shape_cast %get3A_718 : vector<1x16xf32> to vector<16xf32>
          %mul3A_720 = vector.broadcast %squeeze3A_689 : f32 to vector<16xf32>
          %mul3A_721 = arith.mulf %get3A_719, %mul3A_720 : vector<16xf32>
          %swap3A_722 = arith.index_cast %add3A_693 : i32 to index
          %swap3A_723 = arith.constant 32 : index
          %swap3A_724 = tpu.vector_load %arg12[%swap3A_722, %swap3A_723] {strides = array<i32>} : memref<100x64xf32, #tpu.memory_space<vmem>>, vector<1x16xf32>,
          %swap3A_725 = vector.shape_cast %swap3A_724 : vector<1x16xf32> to vector<16xf32>
          %swap3A_726 = vector.shape_cast %mul3A_721 : vector<16xf32> to vector<1x16xf32>
          tpu.vector_store %arg12[%swap3A_722, %swap3A_723], %swap3A_726 {strides = array<i32>} : memref<100x64xf32, #tpu.memory_space<vmem>>, vector<1x16xf32>,
          %get3A_727 = arith.index_cast %add3A_693 : i32 to index
          %get3A_728 = arith.constant 48 : index
          %get3A_729 = tpu.vector_load %arg12[%get3A_727, %get3A_728] {strides = array<i32>} : memref<100x64xf32, #tpu.memory_space<vmem>>, vector<1x16xf32>,
          %get3A_730 = vector.shape_cast %get3A_729 : vector<1x16xf32> to vector<16xf32>
          %mul3A_731 = vector.broadcast %squeeze3A_689 : f32 to vector<16xf32>
          %mul3A_732 = arith.mulf %get3A_730, %mul3A_731 : vector<16xf32>
          %swap3A_733 = arith.index_cast %add3A_693 : i32 to index
          %swap3A_734 = arith.constant 48 : index
          %swap3A_735 = tpu.vector_load %arg12[%swap3A_733, %swap3A_734] {strides = array<i32>} : memref<100x64xf32, #tpu.memory_space<vmem>>, vector<1x16xf32>,
          %swap3A_736 = vector.shape_cast %swap3A_735 : vector<1x16xf32> to vector<16xf32>
          %swap3A_737 = vector.shape_cast %mul3A_732 : vector<16xf32> to vector<1x16xf32>
          tpu.vector_store %arg12[%swap3A_733, %swap3A_734], %swap3A_737 {strides = array<i32>} : memref<100x64xf32, #tpu.memory_space<vmem>>, vector<1x16xf32>,
          %slice3A_738 = vector.extract_strided_slice %get3A_287 {offsets = [9], sizes = [1], strides = [1]} : vector<16xf32> to vector<1xf32>
          %squeeze3A_739 = vector.extract %slice3A_738[0] : f32 from vector<1xf32>
          %mul3A_740 = arith.constant 16 : i32
          %mul3A_741 = arith.muli %scan3A_281, %mul3A_740 : i32
          %add3A_742 = arith.constant 9 : i32
          %add3A_743 = arith.addi %mul3A_741, %add3A_742 : i32
          %get3A_744 = arith.index_cast %add3A_743 : i32 to index
          %get3A_745 = arith.constant 0 : index
          %get3A_746 = tpu.vector_load %arg12[%get3A_744, %get3A_745] {strides = array<i32>} : memref<100x64xf32, #tpu.memory_space<vmem>>, vector<1x16xf32>,
          %get3A_747 = vector.shape_cast %get3A_746 : vector<1x16xf32> to vector<16xf32>
          %mul3A_748 = vector.broadcast %squeeze3A_739 : f32 to vector<16xf32>
          %mul3A_749 = arith.mulf %get3A_747, %mul3A_748 : vector<16xf32>
          %swap3A_750 = arith.index_cast %add3A_743 : i32 to index
          %swap3A_751 = arith.constant 0 : index
          %swap3A_752 = tpu.vector_load %arg12[%swap3A_750, %swap3A_751] {strides = array<i32>} : memref<100x64xf32, #tpu.memory_space<vmem>>, vector<1x16xf32>,
          %swap3A_753 = vector.shape_cast %swap3A_752 : vector<1x16xf32> to vector<16xf32>
          %swap3A_754 = vector.shape_cast %mul3A_749 : vector<16xf32> to vector<1x16xf32>
          tpu.vector_store %arg12[%swap3A_750, %swap3A_751], %swap3A_754 {strides = array<i32>} : memref<100x64xf32, #tpu.memory_space<vmem>>, vector<1x16xf32>,
          %get3A_755 = arith.index_cast %add3A_743 : i32 to index
          %get3A_756 = arith.constant 16 : index
          %get3A_757 = tpu.vector_load %arg12[%get3A_755, %get3A_756] {strides = array<i32>} : memref<100x64xf32, #tpu.memory_space<vmem>>, vector<1x16xf32>,
          %get3A_758 = vector.shape_cast %get3A_757 : vector<1x16xf32> to vector<16xf32>
          %mul3A_759 = vector.broadcast %squeeze3A_739 : f32 to vector<16xf32>
          %mul3A_760 = arith.mulf %get3A_758, %mul3A_759 : vector<16xf32>
          %swap3A_761 = arith.index_cast %add3A_743 : i32 to index
          %swap3A_762 = arith.constant 16 : index
          %swap3A_763 = tpu.vector_load %arg12[%swap3A_761, %swap3A_762] {strides = array<i32>} : memref<100x64xf32, #tpu.memory_space<vmem>>, vector<1x16xf32>,
          %swap3A_764 = vector.shape_cast %swap3A_763 : vector<1x16xf32> to vector<16xf32>
          %swap3A_765 = vector.shape_cast %mul3A_760 : vector<16xf32> to vector<1x16xf32>
          tpu.vector_store %arg12[%swap3A_761, %swap3A_762], %swap3A_765 {strides = array<i32>} : memref<100x64xf32, #tpu.memory_space<vmem>>, vector<1x16xf32>,
          %get3A_766 = arith.index_cast %add3A_743 : i32 to index
          %get3A_767 = arith.constant 32 : index
          %get3A_768 = tpu.vector_load %arg12[%get3A_766, %get3A_767] {strides = array<i32>} : memref<100x64xf32, #tpu.memory_space<vmem>>, vector<1x16xf32>,
          %get3A_769 = vector.shape_cast %get3A_768 : vector<1x16xf32> to vector<16xf32>
          %mul3A_770 = vector.broadcast %squeeze3A_739 : f32 to vector<16xf32>
          %mul3A_771 = arith.mulf %get3A_769, %mul3A_770 : vector<16xf32>
          %swap3A_772 = arith.index_cast %add3A_743 : i32 to index
          %swap3A_773 = arith.constant 32 : index
          %swap3A_774 = tpu.vector_load %arg12[%swap3A_772, %swap3A_773] {strides = array<i32>} : memref<100x64xf32, #tpu.memory_space<vmem>>, vector<1x16xf32>,
          %swap3A_775 = vector.shape_cast %swap3A_774 : vector<1x16xf32> to vector<16xf32>
          %swap3A_776 = vector.shape_cast %mul3A_771 : vector<16xf32> to vector<1x16xf32>
          tpu.vector_store %arg12[%swap3A_772, %swap3A_773], %swap3A_776 {strides = array<i32>} : memref<100x64xf32, #tpu.memory_space<vmem>>, vector<1x16xf32>,
          %get3A_777 = arith.index_cast %add3A_743 : i32 to index
          %get3A_778 = arith.constant 48 : index
          %get3A_779 = tpu.vector_load %arg12[%get3A_777, %get3A_778] {strides = array<i32>} : memref<100x64xf32, #tpu.memory_space<vmem>>, vector<1x16xf32>,
          %get3A_780 = vector.shape_cast %get3A_779 : vector<1x16xf32> to vector<16xf32>
          %mul3A_781 = vector.broadcast %squeeze3A_739 : f32 to vector<16xf32>
          %mul3A_782 = arith.mulf %get3A_780, %mul3A_781 : vector<16xf32>
          %swap3A_783 = arith.index_cast %add3A_743 : i32 to index
          %swap3A_784 = arith.constant 48 : index
          %swap3A_785 = tpu.vector_load %arg12[%swap3A_783, %swap3A_784] {strides = array<i32>} : memref<100x64xf32, #tpu.memory_space<vmem>>, vector<1x16xf32>,
          %swap3A_786 = vector.shape_cast %swap3A_785 : vector<1x16xf32> to vector<16xf32>
          %swap3A_787 = vector.shape_cast %mul3A_782 : vector<16xf32> to vector<1x16xf32>
          tpu.vector_store %arg12[%swap3A_783, %swap3A_784], %swap3A_787 {strides = array<i32>} : memref<100x64xf32, #tpu.memory_space<vmem>>, vector<1x16xf32>,
          %slice3A_788 = vector.extract_strided_slice %get3A_287 {offsets = [10], sizes = [1], strides = [1]} : vector<16xf32> to vector<1xf32>
          %squeeze3A_789 = vector.extract %slice3A_788[0] : f32 from vector<1xf32>
          %mul3A_790 = arith.constant 16 : i32
          %mul3A_791 = arith.muli %scan3A_281, %mul3A_790 : i32
          %add3A_792 = arith.constant 10 : i32
          %add3A_793 = arith.addi %mul3A_791, %add3A_792 : i32
          %get3A_794 = arith.index_cast %add3A_793 : i32 to index
          %get3A_795 = arith.constant 0 : index
          %get3A_796 = tpu.vector_load %arg12[%get3A_794, %get3A_795] {strides = array<i32>} : memref<100x64xf32, #tpu.memory_space<vmem>>, vector<1x16xf32>,
          %get3A_797 = vector.shape_cast %get3A_796 : vector<1x16xf32> to vector<16xf32>
          %mul3A_798 = vector.broadcast %squeeze3A_789 : f32 to vector<16xf32>
          %mul3A_799 = arith.mulf %get3A_797, %mul3A_798 : vector<16xf32>
          %swap3A_800 = arith.index_cast %add3A_793 : i32 to index
          %swap3A_801 = arith.constant 0 : index
          %swap3A_802 = tpu.vector_load %arg12[%swap3A_800, %swap3A_801] {strides = array<i32>} : memref<100x64xf32, #tpu.memory_space<vmem>>, vector<1x16xf32>,
          %swap3A_803 = vector.shape_cast %swap3A_802 : vector<1x16xf32> to vector<16xf32>
          %swap3A_804 = vector.shape_cast %mul3A_799 : vector<16xf32> to vector<1x16xf32>
          tpu.vector_store %arg12[%swap3A_800, %swap3A_801], %swap3A_804 {strides = array<i32>} : memref<100x64xf32, #tpu.memory_space<vmem>>, vector<1x16xf32>,
          %get3A_805 = arith.index_cast %add3A_793 : i32 to index
          %get3A_806 = arith.constant 16 : index
          %get3A_807 = tpu.vector_load %arg12[%get3A_805, %get3A_806] {strides = array<i32>} : memref<100x64xf32, #tpu.memory_space<vmem>>, vector<1x16xf32>,
          %get3A_808 = vector.shape_cast %get3A_807 : vector<1x16xf32> to vector<16xf32>
          %mul3A_809 = vector.broadcast %squeeze3A_789 : f32 to vector<16xf32>
          %mul3A_810 = arith.mulf %get3A_808, %mul3A_809 : vector<16xf32>
          %swap3A_811 = arith.index_cast %add3A_793 : i32 to index
          %swap3A_812 = arith.constant 16 : index
          %swap3A_813 = tpu.vector_load %arg12[%swap3A_811, %swap3A_812] {strides = array<i32>} : memref<100x64xf32, #tpu.memory_space<vmem>>, vector<1x16xf32>,
          %swap3A_814 = vector.shape_cast %swap3A_813 : vector<1x16xf32> to vector<16xf32>
          %swap3A_815 = vector.shape_cast %mul3A_810 : vector<16xf32> to vector<1x16xf32>
          tpu.vector_store %arg12[%swap3A_811, %swap3A_812], %swap3A_815 {strides = array<i32>} : memref<100x64xf32, #tpu.memory_space<vmem>>, vector<1x16xf32>,
          %get3A_816 = arith.index_cast %add3A_793 : i32 to index
          %get3A_817 = arith.constant 32 : index
          %get3A_818 = tpu.vector_load %arg12[%get3A_816, %get3A_817] {strides = array<i32>} : memref<100x64xf32, #tpu.memory_space<vmem>>, vector<1x16xf32>,
          %get3A_819 = vector.shape_cast %get3A_818 : vector<1x16xf32> to vector<16xf32>
          %mul3A_820 = vector.broadcast %squeeze3A_789 : f32 to vector<16xf32>
          %mul3A_821 = arith.mulf %get3A_819, %mul3A_820 : vector<16xf32>
          %swap3A_822 = arith.index_cast %add3A_793 : i32 to index
          %swap3A_823 = arith.constant 32 : index
          %swap3A_824 = tpu.vector_load %arg12[%swap3A_822, %swap3A_823] {strides = array<i32>} : memref<100x64xf32, #tpu.memory_space<vmem>>, vector<1x16xf32>,
          %swap3A_825 = vector.shape_cast %swap3A_824 : vector<1x16xf32> to vector<16xf32>
          %swap3A_826 = vector.shape_cast %mul3A_821 : vector<16xf32> to vector<1x16xf32>
          tpu.vector_store %arg12[%swap3A_822, %swap3A_823], %swap3A_826 {strides = array<i32>} : memref<100x64xf32, #tpu.memory_space<vmem>>, vector<1x16xf32>,
          %get3A_827 = arith.index_cast %add3A_793 : i32 to index
          %get3A_828 = arith.constant 48 : index
          %get3A_829 = tpu.vector_load %arg12[%get3A_827, %get3A_828] {strides = array<i32>} : memref<100x64xf32, #tpu.memory_space<vmem>>, vector<1x16xf32>,
          %get3A_830 = vector.shape_cast %get3A_829 : vector<1x16xf32> to vector<16xf32>
          %mul3A_831 = vector.broadcast %squeeze3A_789 : f32 to vector<16xf32>
          %mul3A_832 = arith.mulf %get3A_830, %mul3A_831 : vector<16xf32>
          %swap3A_833 = arith.index_cast %add3A_793 : i32 to index
          %swap3A_834 = arith.constant 48 : index
          %swap3A_835 = tpu.vector_load %arg12[%swap3A_833, %swap3A_834] {strides = array<i32>} : memref<100x64xf32, #tpu.memory_space<vmem>>, vector<1x16xf32>,
          %swap3A_836 = vector.shape_cast %swap3A_835 : vector<1x16xf32> to vector<16xf32>
          %swap3A_837 = vector.shape_cast %mul3A_832 : vector<16xf32> to vector<1x16xf32>
          tpu.vector_store %arg12[%swap3A_833, %swap3A_834], %swap3A_837 {strides = array<i32>} : memref<100x64xf32, #tpu.memory_space<vmem>>, vector<1x16xf32>,
          %slice3A_838 = vector.extract_strided_slice %get3A_287 {offsets = [11], sizes = [1], strides = [1]} : vector<16xf32> to vector<1xf32>
          %squeeze3A_839 = vector.extract %slice3A_838[0] : f32 from vector<1xf32>
          %mul3A_840 = arith.constant 16 : i32
          %mul3A_841 = arith.muli %scan3A_281, %mul3A_840 : i32
          %add3A_842 = arith.constant 11 : i32
          %add3A_843 = arith.addi %mul3A_841, %add3A_842 : i32
          %get3A_844 = arith.index_cast %add3A_843 : i32 to index
          %get3A_845 = arith.constant 0 : index
          %get3A_846 = tpu.vector_load %arg12[%get3A_844, %get3A_845] {strides = array<i32>} : memref<100x64xf32, #tpu.memory_space<vmem>>, vector<1x16xf32>,
          %get3A_847 = vector.shape_cast %get3A_846 : vector<1x16xf32> to vector<16xf32>
          %mul3A_848 = vector.broadcast %squeeze3A_839 : f32 to vector<16xf32>
          %mul3A_849 = arith.mulf %get3A_847, %mul3A_848 : vector<16xf32>
          %swap3A_850 = arith.index_cast %add3A_843 : i32 to index
          %swap3A_851 = arith.constant 0 : index
          %swap3A_852 = tpu.vector_load %arg12[%swap3A_850, %swap3A_851] {strides = array<i32>} : memref<100x64xf32, #tpu.memory_space<vmem>>, vector<1x16xf32>,
          %swap3A_853 = vector.shape_cast %swap3A_852 : vector<1x16xf32> to vector<16xf32>
          %swap3A_854 = vector.shape_cast %mul3A_849 : vector<16xf32> to vector<1x16xf32>
          tpu.vector_store %arg12[%swap3A_850, %swap3A_851], %swap3A_854 {strides = array<i32>} : memref<100x64xf32, #tpu.memory_space<vmem>>, vector<1x16xf32>,
          %get3A_855 = arith.index_cast %add3A_843 : i32 to index
          %get3A_856 = arith.constant 16 : index
          %get3A_857 = tpu.vector_load %arg12[%get3A_855, %get3A_856] {strides = array<i32>} : memref<100x64xf32, #tpu.memory_space<vmem>>, vector<1x16xf32>,
          %get3A_858 = vector.shape_cast %get3A_857 : vector<1x16xf32> to vector<16xf32>
          %mul3A_859 = vector.broadcast %squeeze3A_839 : f32 to vector<16xf32>
          %mul3A_860 = arith.mulf %get3A_858, %mul3A_859 : vector<16xf32>
          %swap3A_861 = arith.index_cast %add3A_843 : i32 to index
          %swap3A_862 = arith.constant 16 : index
          %swap3A_863 = tpu.vector_load %arg12[%swap3A_861, %swap3A_862] {strides = array<i32>} : memref<100x64xf32, #tpu.memory_space<vmem>>, vector<1x16xf32>,
          %swap3A_864 = vector.shape_cast %swap3A_863 : vector<1x16xf32> to vector<16xf32>
          %swap3A_865 = vector.shape_cast %mul3A_860 : vector<16xf32> to vector<1x16xf32>
          tpu.vector_store %arg12[%swap3A_861, %swap3A_862], %swap3A_865 {strides = array<i32>} : memref<100x64xf32, #tpu.memory_space<vmem>>, vector<1x16xf32>,
          %get3A_866 = arith.index_cast %add3A_843 : i32 to index
          %get3A_867 = arith.constant 32 : index
          %get3A_868 = tpu.vector_load %arg12[%get3A_866, %get3A_867] {strides = array<i32>} : memref<100x64xf32, #tpu.memory_space<vmem>>, vector<1x16xf32>,
          %get3A_869 = vector.shape_cast %get3A_868 : vector<1x16xf32> to vector<16xf32>
          %mul3A_870 = vector.broadcast %squeeze3A_839 : f32 to vector<16xf32>
          %mul3A_871 = arith.mulf %get3A_869, %mul3A_870 : vector<16xf32>
          %swap3A_872 = arith.index_cast %add3A_843 : i32 to index
          %swap3A_873 = arith.constant 32 : index
          %swap3A_874 = tpu.vector_load %arg12[%swap3A_872, %swap3A_873] {strides = array<i32>} : memref<100x64xf32, #tpu.memory_space<vmem>>, vector<1x16xf32>,
          %swap3A_875 = vector.shape_cast %swap3A_874 : vector<1x16xf32> to vector<16xf32>
          %swap3A_876 = vector.shape_cast %mul3A_871 : vector<16xf32> to vector<1x16xf32>
          tpu.vector_store %arg12[%swap3A_872, %swap3A_873], %swap3A_876 {strides = array<i32>} : memref<100x64xf32, #tpu.memory_space<vmem>>, vector<1x16xf32>,
          %get3A_877 = arith.index_cast %add3A_843 : i32 to index
          %get3A_878 = arith.constant 48 : index
          %get3A_879 = tpu.vector_load %arg12[%get3A_877, %get3A_878] {strides = array<i32>} : memref<100x64xf32, #tpu.memory_space<vmem>>, vector<1x16xf32>,
          %get3A_880 = vector.shape_cast %get3A_879 : vector<1x16xf32> to vector<16xf32>
          %mul3A_881 = vector.broadcast %squeeze3A_839 : f32 to vector<16xf32>
          %mul3A_882 = arith.mulf %get3A_880, %mul3A_881 : vector<16xf32>
          %swap3A_883 = arith.index_cast %add3A_843 : i32 to index
          %swap3A_884 = arith.constant 48 : index
          %swap3A_885 = tpu.vector_load %arg12[%swap3A_883, %swap3A_884] {strides = array<i32>} : memref<100x64xf32, #tpu.memory_space<vmem>>, vector<1x16xf32>,
          %swap3A_886 = vector.shape_cast %swap3A_885 : vector<1x16xf32> to vector<16xf32>
          %swap3A_887 = vector.shape_cast %mul3A_882 : vector<16xf32> to vector<1x16xf32>
          tpu.vector_store %arg12[%swap3A_883, %swap3A_884], %swap3A_887 {strides = array<i32>} : memref<100x64xf32, #tpu.memory_space<vmem>>, vector<1x16xf32>,
          %slice3A_888 = vector.extract_strided_slice %get3A_287 {offsets = [12], sizes = [1], strides = [1]} : vector<16xf32> to vector<1xf32>
          %squeeze3A_889 = vector.extract %slice3A_888[0] : f32 from vector<1xf32>
          %mul3A_890 = arith.constant 16 : i32
          %mul3A_891 = arith.muli %scan3A_281, %mul3A_890 : i32
          %add3A_892 = arith.constant 12 : i32
          %add3A_893 = arith.addi %mul3A_891, %add3A_892 : i32
          %get3A_894 = arith.index_cast %add3A_893 : i32 to index
          %get3A_895 = arith.constant 0 : index
          %get3A_896 = tpu.vector_load %arg12[%get3A_894, %get3A_895] {strides = array<i32>} : memref<100x64xf32, #tpu.memory_space<vmem>>, vector<1x16xf32>,
          %get3A_897 = vector.shape_cast %get3A_896 : vector<1x16xf32> to vector<16xf32>
          %mul3A_898 = vector.broadcast %squeeze3A_889 : f32 to vector<16xf32>
          %mul3A_899 = arith.mulf %get3A_897, %mul3A_898 : vector<16xf32>
          %swap3A_900 = arith.index_cast %add3A_893 : i32 to index
          %swap3A_901 = arith.constant 0 : index
          %swap3A_902 = tpu.vector_load %arg12[%swap3A_900, %swap3A_901] {strides = array<i32>} : memref<100x64xf32, #tpu.memory_space<vmem>>, vector<1x16xf32>,
          %swap3A_903 = vector.shape_cast %swap3A_902 : vector<1x16xf32> to vector<16xf32>
          %swap3A_904 = vector.shape_cast %mul3A_899 : vector<16xf32> to vector<1x16xf32>
          tpu.vector_store %arg12[%swap3A_900, %swap3A_901], %swap3A_904 {strides = array<i32>} : memref<100x64xf32, #tpu.memory_space<vmem>>, vector<1x16xf32>,
          %get3A_905 = arith.index_cast %add3A_893 : i32 to index
          %get3A_906 = arith.constant 16 : index
          %get3A_907 = tpu.vector_load %arg12[%get3A_905, %get3A_906] {strides = array<i32>} : memref<100x64xf32, #tpu.memory_space<vmem>>, vector<1x16xf32>,
          %get3A_908 = vector.shape_cast %get3A_907 : vector<1x16xf32> to vector<16xf32>
          %mul3A_909 = vector.broadcast %squeeze3A_889 : f32 to vector<16xf32>
          %mul3A_910 = arith.mulf %get3A_908, %mul3A_909 : vector<16xf32>
          %swap3A_911 = arith.index_cast %add3A_893 : i32 to index
          %swap3A_912 = arith.constant 16 : index
          %swap3A_913 = tpu.vector_load %arg12[%swap3A_911, %swap3A_912] {strides = array<i32>} : memref<100x64xf32, #tpu.memory_space<vmem>>, vector<1x16xf32>,
          %swap3A_914 = vector.shape_cast %swap3A_913 : vector<1x16xf32> to vector<16xf32>
          %swap3A_915 = vector.shape_cast %mul3A_910 : vector<16xf32> to vector<1x16xf32>
          tpu.vector_store %arg12[%swap3A_911, %swap3A_912], %swap3A_915 {strides = array<i32>} : memref<100x64xf32, #tpu.memory_space<vmem>>, vector<1x16xf32>,
          %get3A_916 = arith.index_cast %add3A_893 : i32 to index
          %get3A_917 = arith.constant 32 : index
          %get3A_918 = tpu.vector_load %arg12[%get3A_916, %get3A_917] {strides = array<i32>} : memref<100x64xf32, #tpu.memory_space<vmem>>, vector<1x16xf32>,
          %get3A_919 = vector.shape_cast %get3A_918 : vector<1x16xf32> to vector<16xf32>
          %mul3A_920 = vector.broadcast %squeeze3A_889 : f32 to vector<16xf32>
          %mul3A_921 = arith.mulf %get3A_919, %mul3A_920 : vector<16xf32>
          %swap3A_922 = arith.index_cast %add3A_893 : i32 to index
          %swap3A_923 = arith.constant 32 : index
          %swap3A_924 = tpu.vector_load %arg12[%swap3A_922, %swap3A_923] {strides = array<i32>} : memref<100x64xf32, #tpu.memory_space<vmem>>, vector<1x16xf32>,
          %swap3A_925 = vector.shape_cast %swap3A_924 : vector<1x16xf32> to vector<16xf32>
          %swap3A_926 = vector.shape_cast %mul3A_921 : vector<16xf32> to vector<1x16xf32>
          tpu.vector_store %arg12[%swap3A_922, %swap3A_923], %swap3A_926 {strides = array<i32>} : memref<100x64xf32, #tpu.memory_space<vmem>>, vector<1x16xf32>,
          %get3A_927 = arith.index_cast %add3A_893 : i32 to index
          %get3A_928 = arith.constant 48 : index
          %get3A_929 = tpu.vector_load %arg12[%get3A_927, %get3A_928] {strides = array<i32>} : memref<100x64xf32, #tpu.memory_space<vmem>>, vector<1x16xf32>,
          %get3A_930 = vector.shape_cast %get3A_929 : vector<1x16xf32> to vector<16xf32>
          %mul3A_931 = vector.broadcast %squeeze3A_889 : f32 to vector<16xf32>
          %mul3A_932 = arith.mulf %get3A_930, %mul3A_931 : vector<16xf32>
          %swap3A_933 = arith.index_cast %add3A_893 : i32 to index
          %swap3A_934 = arith.constant 48 : index
          %swap3A_935 = tpu.vector_load %arg12[%swap3A_933, %swap3A_934] {strides = array<i32>} : memref<100x64xf32, #tpu.memory_space<vmem>>, vector<1x16xf32>,
          %swap3A_936 = vector.shape_cast %swap3A_935 : vector<1x16xf32> to vector<16xf32>
          %swap3A_937 = vector.shape_cast %mul3A_932 : vector<16xf32> to vector<1x16xf32>
          tpu.vector_store %arg12[%swap3A_933, %swap3A_934], %swap3A_937 {strides = array<i32>} : memref<100x64xf32, #tpu.memory_space<vmem>>, vector<1x16xf32>,
          %slice3A_938 = vector.extract_strided_slice %get3A_287 {offsets = [13], sizes = [1], strides = [1]} : vector<16xf32> to vector<1xf32>
          %squeeze3A_939 = vector.extract %slice3A_938[0] : f32 from vector<1xf32>
          %mul3A_940 = arith.constant 16 : i32
          %mul3A_941 = arith.muli %scan3A_281, %mul3A_940 : i32
          %add3A_942 = arith.constant 13 : i32
          %add3A_943 = arith.addi %mul3A_941, %add3A_942 : i32
          %get3A_944 = arith.index_cast %add3A_943 : i32 to index
          %get3A_945 = arith.constant 0 : index
          %get3A_946 = tpu.vector_load %arg12[%get3A_944, %get3A_945] {strides = array<i32>} : memref<100x64xf32, #tpu.memory_space<vmem>>, vector<1x16xf32>,
          %get3A_947 = vector.shape_cast %get3A_946 : vector<1x16xf32> to vector<16xf32>
          %mul3A_948 = vector.broadcast %squeeze3A_939 : f32 to vector<16xf32>
          %mul3A_949 = arith.mulf %get3A_947, %mul3A_948 : vector<16xf32>
          %swap3A_950 = arith.index_cast %add3A_943 : i32 to index
          %swap3A_951 = arith.constant 0 : index
          %swap3A_952 = tpu.vector_load %arg12[%swap3A_950, %swap3A_951] {strides = array<i32>} : memref<100x64xf32, #tpu.memory_space<vmem>>, vector<1x16xf32>,
          %swap3A_953 = vector.shape_cast %swap3A_952 : vector<1x16xf32> to vector<16xf32>
          %swap3A_954 = vector.shape_cast %mul3A_949 : vector<16xf32> to vector<1x16xf32>
          tpu.vector_store %arg12[%swap3A_950, %swap3A_951], %swap3A_954 {strides = array<i32>} : memref<100x64xf32, #tpu.memory_space<vmem>>, vector<1x16xf32>,
          %get3A_955 = arith.index_cast %add3A_943 : i32 to index
          %get3A_956 = arith.constant 16 : index
          %get3A_957 = tpu.vector_load %arg12[%get3A_955, %get3A_956] {strides = array<i32>} : memref<100x64xf32, #tpu.memory_space<vmem>>, vector<1x16xf32>,
          %get3A_958 = vector.shape_cast %get3A_957 : vector<1x16xf32> to vector<16xf32>
          %mul3A_959 = vector.broadcast %squeeze3A_939 : f32 to vector<16xf32>
          %mul3A_960 = arith.mulf %get3A_958, %mul3A_959 : vector<16xf32>
          %swap3A_961 = arith.index_cast %add3A_943 : i32 to index
          %swap3A_962 = arith.constant 16 : index
          %swap3A_963 = tpu.vector_load %arg12[%swap3A_961, %swap3A_962] {strides = array<i32>} : memref<100x64xf32, #tpu.memory_space<vmem>>, vector<1x16xf32>,
          %swap3A_964 = vector.shape_cast %swap3A_963 : vector<1x16xf32> to vector<16xf32>
          %swap3A_965 = vector.shape_cast %mul3A_960 : vector<16xf32> to vector<1x16xf32>
          tpu.vector_store %arg12[%swap3A_961, %swap3A_962], %swap3A_965 {strides = array<i32>} : memref<100x64xf32, #tpu.memory_space<vmem>>, vector<1x16xf32>,
          %get3A_966 = arith.index_cast %add3A_943 : i32 to index
          %get3A_967 = arith.constant 32 : index
          %get3A_968 = tpu.vector_load %arg12[%get3A_966, %get3A_967] {strides = array<i32>} : memref<100x64xf32, #tpu.memory_space<vmem>>, vector<1x16xf32>,
          %get3A_969 = vector.shape_cast %get3A_968 : vector<1x16xf32> to vector<16xf32>
          %mul3A_970 = vector.broadcast %squeeze3A_939 : f32 to vector<16xf32>
          %mul3A_971 = arith.mulf %get3A_969, %mul3A_970 : vector<16xf32>
          %swap3A_972 = arith.index_cast %add3A_943 : i32 to index
          %swap3A_973 = arith.constant 32 : index
          %swap3A_974 = tpu.vector_load %arg12[%swap3A_972, %swap3A_973] {strides = array<i32>} : memref<100x64xf32, #tpu.memory_space<vmem>>, vector<1x16xf32>,
          %swap3A_975 = vector.shape_cast %swap3A_974 : vector<1x16xf32> to vector<16xf32>
          %swap3A_976 = vector.shape_cast %mul3A_971 : vector<16xf32> to vector<1x16xf32>
          tpu.vector_store %arg12[%swap3A_972, %swap3A_973], %swap3A_976 {strides = array<i32>} : memref<100x64xf32, #tpu.memory_space<vmem>>, vector<1x16xf32>,
          %get3A_977 = arith.index_cast %add3A_943 : i32 to index
          %get3A_978 = arith.constant 48 : index
          %get3A_979 = tpu.vector_load %arg12[%get3A_977, %get3A_978] {strides = array<i32>} : memref<100x64xf32, #tpu.memory_space<vmem>>, vector<1x16xf32>,
          %get3A_980 = vector.shape_cast %get3A_979 : vector<1x16xf32> to vector<16xf32>
          %mul3A_981 = vector.broadcast %squeeze3A_939 : f32 to vector<16xf32>
          %mul3A_982 = arith.mulf %get3A_980, %mul3A_981 : vector<16xf32>
          %swap3A_983 = arith.index_cast %add3A_943 : i32 to index
          %swap3A_984 = arith.constant 48 : index
          %swap3A_985 = tpu.vector_load %arg12[%swap3A_983, %swap3A_984] {strides = array<i32>} : memref<100x64xf32, #tpu.memory_space<vmem>>, vector<1x16xf32>,
          %swap3A_986 = vector.shape_cast %swap3A_985 : vector<1x16xf32> to vector<16xf32>
          %swap3A_987 = vector.shape_cast %mul3A_982 : vector<16xf32> to vector<1x16xf32>
          tpu.vector_store %arg12[%swap3A_983, %swap3A_984], %swap3A_987 {strides = array<i32>} : memref<100x64xf32, #tpu.memory_space<vmem>>, vector<1x16xf32>,
          %slice3A_988 = vector.extract_strided_slice %get3A_287 {offsets = [14], sizes = [1], strides = [1]} : vector<16xf32> to vector<1xf32>
          %squeeze3A_989 = vector.extract %slice3A_988[0] : f32 from vector<1xf32>
          %mul3A_990 = arith.constant 16 : i32
          %mul3A_991 = arith.muli %scan3A_281, %mul3A_990 : i32
          %add3A_992 = arith.constant 14 : i32
          %add3A_993 = arith.addi %mul3A_991, %add3A_992 : i32
          %get3A_994 = arith.index_cast %add3A_993 : i32 to index
          %get3A_995 = arith.constant 0 : index
          %get3A_996 = tpu.vector_load %arg12[%get3A_994, %get3A_995] {strides = array<i32>} : memref<100x64xf32, #tpu.memory_space<vmem>>, vector<1x16xf32>,
          %get3A_997 = vector.shape_cast %get3A_996 : vector<1x16xf32> to vector<16xf32>
          %mul3A_998 = vector.broadcast %squeeze3A_989 : f32 to vector<16xf32>
          %mul3A_999 = arith.mulf %get3A_997, %mul3A_998 : vector<16xf32>
          %swap3A_1000 = arith.index_cast %add3A_993 : i32 to index
          %swap3A_1001 = arith.constant 0 : index
          %swap3A_1002 = tpu.vector_load %arg12[%swap3A_1000, %swap3A_1001] {strides = array<i32>} : memref<100x64xf32, #tpu.memory_space<vmem>>, vector<1x16xf32>,
          %swap3A_1003 = vector.shape_cast %swap3A_1002 : vector<1x16xf32> to vector<16xf32>
          %swap3A_1004 = vector.shape_cast %mul3A_999 : vector<16xf32> to vector<1x16xf32>
          tpu.vector_store %arg12[%swap3A_1000, %swap3A_1001], %swap3A_1004 {strides = array<i32>} : memref<100x64xf32, #tpu.memory_space<vmem>>, vector<1x16xf32>,
          %get3A_1005 = arith.index_cast %add3A_993 : i32 to index
          %get3A_1006 = arith.constant 16 : index
          %get3A_1007 = tpu.vector_load %arg12[%get3A_1005, %get3A_1006] {strides = array<i32>} : memref<100x64xf32, #tpu.memory_space<vmem>>, vector<1x16xf32>,
          %get3A_1008 = vector.shape_cast %get3A_1007 : vector<1x16xf32> to vector<16xf32>
          %mul3A_1009 = vector.broadcast %squeeze3A_989 : f32 to vector<16xf32>
          %mul3A_1010 = arith.mulf %get3A_1008, %mul3A_1009 : vector<16xf32>
          %swap3A_1011 = arith.index_cast %add3A_993 : i32 to index
          %swap3A_1012 = arith.constant 16 : index
          %swap3A_1013 = tpu.vector_load %arg12[%swap3A_1011, %swap3A_1012] {strides = array<i32>} : memref<100x64xf32, #tpu.memory_space<vmem>>, vector<1x16xf32>,
          %swap3A_1014 = vector.shape_cast %swap3A_1013 : vector<1x16xf32> to vector<16xf32>
          %swap3A_1015 = vector.shape_cast %mul3A_1010 : vector<16xf32> to vector<1x16xf32>
          tpu.vector_store %arg12[%swap3A_1011, %swap3A_1012], %swap3A_1015 {strides = array<i32>} : memref<100x64xf32, #tpu.memory_space<vmem>>, vector<1x16xf32>,
          %get3A_1016 = arith.index_cast %add3A_993 : i32 to index
          %get3A_1017 = arith.constant 32 : index
          %get3A_1018 = tpu.vector_load %arg12[%get3A_1016, %get3A_1017] {strides = array<i32>} : memref<100x64xf32, #tpu.memory_space<vmem>>, vector<1x16xf32>,
          %get3A_1019 = vector.shape_cast %get3A_1018 : vector<1x16xf32> to vector<16xf32>
          %mul3A_1020 = vector.broadcast %squeeze3A_989 : f32 to vector<16xf32>
          %mul3A_1021 = arith.mulf %get3A_1019, %mul3A_1020 : vector<16xf32>
          %swap3A_1022 = arith.index_cast %add3A_993 : i32 to index
          %swap3A_1023 = arith.constant 32 : index
          %swap3A_1024 = tpu.vector_load %arg12[%swap3A_1022, %swap3A_1023] {strides = array<i32>} : memref<100x64xf32, #tpu.memory_space<vmem>>, vector<1x16xf32>,
          %swap3A_1025 = vector.shape_cast %swap3A_1024 : vector<1x16xf32> to vector<16xf32>
          %swap3A_1026 = vector.shape_cast %mul3A_1021 : vector<16xf32> to vector<1x16xf32>
          tpu.vector_store %arg12[%swap3A_1022, %swap3A_1023], %swap3A_1026 {strides = array<i32>} : memref<100x64xf32, #tpu.memory_space<vmem>>, vector<1x16xf32>,
          %get3A_1027 = arith.index_cast %add3A_993 : i32 to index
          %get3A_1028 = arith.constant 48 : index
          %get3A_1029 = tpu.vector_load %arg12[%get3A_1027, %get3A_1028] {strides = array<i32>} : memref<100x64xf32, #tpu.memory_space<vmem>>, vector<1x16xf32>,
          %get3A_1030 = vector.shape_cast %get3A_1029 : vector<1x16xf32> to vector<16xf32>
          %mul3A_1031 = vector.broadcast %squeeze3A_989 : f32 to vector<16xf32>
          %mul3A_1032 = arith.mulf %get3A_1030, %mul3A_1031 : vector<16xf32>
          %swap3A_1033 = arith.index_cast %add3A_993 : i32 to index
          %swap3A_1034 = arith.constant 48 : index
          %swap3A_1035 = tpu.vector_load %arg12[%swap3A_1033, %swap3A_1034] {strides = array<i32>} : memref<100x64xf32, #tpu.memory_space<vmem>>, vector<1x16xf32>,
          %swap3A_1036 = vector.shape_cast %swap3A_1035 : vector<1x16xf32> to vector<16xf32>
          %swap3A_1037 = vector.shape_cast %mul3A_1032 : vector<16xf32> to vector<1x16xf32>
          tpu.vector_store %arg12[%swap3A_1033, %swap3A_1034], %swap3A_1037 {strides = array<i32>} : memref<100x64xf32, #tpu.memory_space<vmem>>, vector<1x16xf32>,
          %slice3A_1038 = vector.extract_strided_slice %get3A_287 {offsets = [15], sizes = [1], strides = [1]} : vector<16xf32> to vector<1xf32>
          %squeeze3A_1039 = vector.extract %slice3A_1038[0] : f32 from vector<1xf32>
          %mul3A_1040 = arith.constant 16 : i32
          %mul3A_1041 = arith.muli %scan3A_281, %mul3A_1040 : i32
          %add3A_1042 = arith.constant 15 : i32
          %add3A_1043 = arith.addi %mul3A_1041, %add3A_1042 : i32
          %get3A_1044 = arith.index_cast %add3A_1043 : i32 to index
          %get3A_1045 = arith.constant 0 : index
          %get3A_1046 = tpu.vector_load %arg12[%get3A_1044, %get3A_1045] {strides = array<i32>} : memref<100x64xf32, #tpu.memory_space<vmem>>, vector<1x16xf32>,
          %get3A_1047 = vector.shape_cast %get3A_1046 : vector<1x16xf32> to vector<16xf32>
          %mul3A_1048 = vector.broadcast %squeeze3A_1039 : f32 to vector<16xf32>
          %mul3A_1049 = arith.mulf %get3A_1047, %mul3A_1048 : vector<16xf32>
          %swap3A_1050 = arith.index_cast %add3A_1043 : i32 to index
          %swap3A_1051 = arith.constant 0 : index
          %swap3A_1052 = tpu.vector_load %arg12[%swap3A_1050, %swap3A_1051] {strides = array<i32>} : memref<100x64xf32, #tpu.memory_space<vmem>>, vector<1x16xf32>,
          %swap3A_1053 = vector.shape_cast %swap3A_1052 : vector<1x16xf32> to vector<16xf32>
          %swap3A_1054 = vector.shape_cast %mul3A_1049 : vector<16xf32> to vector<1x16xf32>
          tpu.vector_store %arg12[%swap3A_1050, %swap3A_1051], %swap3A_1054 {strides = array<i32>} : memref<100x64xf32, #tpu.memory_space<vmem>>, vector<1x16xf32>,
          %get3A_1055 = arith.index_cast %add3A_1043 : i32 to index
          %get3A_1056 = arith.constant 16 : index
          %get3A_1057 = tpu.vector_load %arg12[%get3A_1055, %get3A_1056] {strides = array<i32>} : memref<100x64xf32, #tpu.memory_space<vmem>>, vector<1x16xf32>,
          %get3A_1058 = vector.shape_cast %get3A_1057 : vector<1x16xf32> to vector<16xf32>
          %mul3A_1059 = vector.broadcast %squeeze3A_1039 : f32 to vector<16xf32>
          %mul3A_1060 = arith.mulf %get3A_1058, %mul3A_1059 : vector<16xf32>
          %swap3A_1061 = arith.index_cast %add3A_1043 : i32 to index
          %swap3A_1062 = arith.constant 16 : index
          %swap3A_1063 = tpu.vector_load %arg12[%swap3A_1061, %swap3A_1062] {strides = array<i32>} : memref<100x64xf32, #tpu.memory_space<vmem>>, vector<1x16xf32>,
          %swap3A_1064 = vector.shape_cast %swap3A_1063 : vector<1x16xf32> to vector<16xf32>
          %swap3A_1065 = vector.shape_cast %mul3A_1060 : vector<16xf32> to vector<1x16xf32>
          tpu.vector_store %arg12[%swap3A_1061, %swap3A_1062], %swap3A_1065 {strides = array<i32>} : memref<100x64xf32, #tpu.memory_space<vmem>>, vector<1x16xf32>,
          %get3A_1066 = arith.index_cast %add3A_1043 : i32 to index
          %get3A_1067 = arith.constant 32 : index
          %get3A_1068 = tpu.vector_load %arg12[%get3A_1066, %get3A_1067] {strides = array<i32>} : memref<100x64xf32, #tpu.memory_space<vmem>>, vector<1x16xf32>,
          %get3A_1069 = vector.shape_cast %get3A_1068 : vector<1x16xf32> to vector<16xf32>
          %mul3A_1070 = vector.broadcast %squeeze3A_1039 : f32 to vector<16xf32>
          %mul3A_1071 = arith.mulf %get3A_1069, %mul3A_1070 : vector<16xf32>
          %swap3A_1072 = arith.index_cast %add3A_1043 : i32 to index
          %swap3A_1073 = arith.constant 32 : index
          %swap3A_1074 = tpu.vector_load %arg12[%swap3A_1072, %swap3A_1073] {strides = array<i32>} : memref<100x64xf32, #tpu.memory_space<vmem>>, vector<1x16xf32>,
          %swap3A_1075 = vector.shape_cast %swap3A_1074 : vector<1x16xf32> to vector<16xf32>
          %swap3A_1076 = vector.shape_cast %mul3A_1071 : vector<16xf32> to vector<1x16xf32>
          tpu.vector_store %arg12[%swap3A_1072, %swap3A_1073], %swap3A_1076 {strides = array<i32>} : memref<100x64xf32, #tpu.memory_space<vmem>>, vector<1x16xf32>,
          %get3A_1077 = arith.index_cast %add3A_1043 : i32 to index
          %get3A_1078 = arith.constant 48 : index
          %get3A_1079 = tpu.vector_load %arg12[%get3A_1077, %get3A_1078] {strides = array<i32>} : memref<100x64xf32, #tpu.memory_space<vmem>>, vector<1x16xf32>,
          %get3A_1080 = vector.shape_cast %get3A_1079 : vector<1x16xf32> to vector<16xf32>
          %mul3A_1081 = vector.broadcast %squeeze3A_1039 : f32 to vector<16xf32>
          %mul3A_1082 = arith.mulf %get3A_1080, %mul3A_1081 : vector<16xf32>
          %swap3A_1083 = arith.index_cast %add3A_1043 : i32 to index
          %swap3A_1084 = arith.constant 48 : index
          %swap3A_1085 = tpu.vector_load %arg12[%swap3A_1083, %swap3A_1084] {strides = array<i32>} : memref<100x64xf32, #tpu.memory_space<vmem>>, vector<1x16xf32>,
          %swap3A_1086 = vector.shape_cast %swap3A_1085 : vector<1x16xf32> to vector<16xf32>
          %swap3A_1087 = vector.shape_cast %mul3A_1082 : vector<16xf32> to vector<1x16xf32>
          tpu.vector_store %arg12[%swap3A_1083, %swap3A_1084], %swap3A_1087 {strides = array<i32>} : memref<100x64xf32, #tpu.memory_space<vmem>>, vector<1x16xf32>,
        }
        %scan3A_64 = arith.constant 6 : i32
        %get3A = arith.index_cast %scan3A_48 : i32 to index
        %get3A_65 = arith.constant 96 : index
        %get3A_66 = tpu.vector_load %arg11[%get3A, %get3A_65] {strides = array<i32>} : memref<8x100xf32, #tpu.memory_space<vmem>>, vector<1x4xf32>,
        %get3A_67 = vector.shape_cast %get3A_66 : vector<1x4xf32> to vector<4xf32>
        %slice3A = vector.extract_strided_slice %get3A_67 {offsets = [0], sizes = [1], strides = [1]} : vector<4xf32> to vector<1xf32>
        %squeeze3A = vector.extract %slice3A[0] : f32 from vector<1xf32>
        %get3A_68 = arith.constant 96 : i32
        %get3A_69 = arith.index_cast %get3A_68 : i32 to index
        %get3A_70 = arith.constant 0 : index
        %get3A_71 = tpu.vector_load %arg12[%get3A_69, %get3A_70] {strides = array<i32>} : memref<100x64xf32, #tpu.memory_space<vmem>>, vector<1x16xf32>,
        %get3A_72 = vector.shape_cast %get3A_71 : vector<1x16xf32> to vector<16xf32>
        %mul3A_73 = vector.broadcast %squeeze3A : f32 to vector<16xf32>
        %mul3A_74 = arith.mulf %get3A_72, %mul3A_73 : vector<16xf32>
        %swap3A = arith.constant 96 : i32
        %swap3A_75 = arith.index_cast %swap3A : i32 to index
        %swap3A_76 = arith.constant 0 : index
        %swap3A_77 = tpu.vector_load %arg12[%swap3A_75, %swap3A_76] {strides = array<i32>} : memref<100x64xf32, #tpu.memory_space<vmem>>, vector<1x16xf32>,
        %swap3A_78 = vector.shape_cast %swap3A_77 : vector<1x16xf32> to vector<16xf32>
        %swap3A_79 = vector.shape_cast %mul3A_74 : vector<16xf32> to vector<1x16xf32>
        tpu.vector_store %arg12[%swap3A_75, %swap3A_76], %swap3A_79 {strides = array<i32>} : memref<100x64xf32, #tpu.memory_space<vmem>>, vector<1x16xf32>,
        %get3A_80 = arith.constant 96 : i32
        %get3A_81 = arith.index_cast %get3A_80 : i32 to index
        %get3A_82 = arith.constant 16 : index
        %get3A_83 = tpu.vector_load %arg12[%get3A_81, %get3A_82] {strides = array<i32>} : memref<100x64xf32, #tpu.memory_space<vmem>>, vector<1x16xf32>,
        %get3A_84 = vector.shape_cast %get3A_83 : vector<1x16xf32> to vector<16xf32>
        %mul3A_85 = vector.broadcast %squeeze3A : f32 to vector<16xf32>
        %mul3A_86 = arith.mulf %get3A_84, %mul3A_85 : vector<16xf32>
        %swap3A_87 = arith.constant 96 : i32
        %swap3A_88 = arith.index_cast %swap3A_87 : i32 to index
        %swap3A_89 = arith.constant 16 : index
        %swap3A_90 = tpu.vector_load %arg12[%swap3A_88, %swap3A_89] {strides = array<i32>} : memref<100x64xf32, #tpu.memory_space<vmem>>, vector<1x16xf32>,
        %swap3A_91 = vector.shape_cast %swap3A_90 : vector<1x16xf32> to vector<16xf32>
        %swap3A_92 = vector.shape_cast %mul3A_86 : vector<16xf32> to vector<1x16xf32>
        tpu.vector_store %arg12[%swap3A_88, %swap3A_89], %swap3A_92 {strides = array<i32>} : memref<100x64xf32, #tpu.memory_space<vmem>>, vector<1x16xf32>,
        %get3A_93 = arith.constant 96 : i32
        %get3A_94 = arith.index_cast %get3A_93 : i32 to index
        %get3A_95 = arith.constant 32 : index
        %get3A_96 = tpu.vector_load %arg12[%get3A_94, %get3A_95] {strides = array<i32>} : memref<100x64xf32, #tpu.memory_space<vmem>>, vector<1x16xf32>,
        %get3A_97 = vector.shape_cast %get3A_96 : vector<1x16xf32> to vector<16xf32>
        %mul3A_98 = vector.broadcast %squeeze3A : f32 to vector<16xf32>
        %mul3A_99 = arith.mulf %get3A_97, %mul3A_98 : vector<16xf32>
        %swap3A_100 = arith.constant 96 : i32
        %swap3A_101 = arith.index_cast %swap3A_100 : i32 to index
        %swap3A_102 = arith.constant 32 : index
        %swap3A_103 = tpu.vector_load %arg12[%swap3A_101, %swap3A_102] {strides = array<i32>} : memref<100x64xf32, #tpu.memory_space<vmem>>, vector<1x16xf32>,
        %swap3A_104 = vector.shape_cast %swap3A_103 : vector<1x16xf32> to vector<16xf32>
        %swap3A_105 = vector.shape_cast %mul3A_99 : vector<16xf32> to vector<1x16xf32>
        tpu.vector_store %arg12[%swap3A_101, %swap3A_102], %swap3A_105 {strides = array<i32>} : memref<100x64xf32, #tpu.memory_space<vmem>>, vector<1x16xf32>,
        %get3A_106 = arith.constant 96 : i32
        %get3A_107 = arith.index_cast %get3A_106 : i32 to index
        %get3A_108 = arith.constant 48 : index
        %get3A_109 = tpu.vector_load %arg12[%get3A_107, %get3A_108] {strides = array<i32>} : memref<100x64xf32, #tpu.memory_space<vmem>>, vector<1x16xf32>,
        %get3A_110 = vector.shape_cast %get3A_109 : vector<1x16xf32> to vector<16xf32>
        %mul3A_111 = vector.broadcast %squeeze3A : f32 to vector<16xf32>
        %mul3A_112 = arith.mulf %get3A_110, %mul3A_111 : vector<16xf32>
        %swap3A_113 = arith.constant 96 : i32
        %swap3A_114 = arith.index_cast %swap3A_113 : i32 to index
        %swap3A_115 = arith.constant 48 : index
        %swap3A_116 = tpu.vector_load %arg12[%swap3A_114, %swap3A_115] {strides = array<i32>} : memref<100x64xf32, #tpu.memory_space<vmem>>, vector<1x16xf32>,
        %swap3A_117 = vector.shape_cast %swap3A_116 : vector<1x16xf32> to vector<16xf32>
        %swap3A_118 = vector.shape_cast %mul3A_112 : vector<16xf32> to vector<1x16xf32>
        tpu.vector_store %arg12[%swap3A_114, %swap3A_115], %swap3A_118 {strides = array<i32>} : memref<100x64xf32, #tpu.memory_space<vmem>>, vector<1x16xf32>,
        %slice3A_119 = vector.extract_strided_slice %get3A_67 {offsets = [1], sizes = [1], strides = [1]} : vector<4xf32> to vector<1xf32>
        %squeeze3A_120 = vector.extract %slice3A_119[0] : f32 from vector<1xf32>
        %get3A_121 = arith.constant 97 : i32
        %get3A_122 = arith.index_cast %get3A_121 : i32 to index
        %get3A_123 = arith.constant 0 : index
        %get3A_124 = tpu.vector_load %arg12[%get3A_122, %get3A_123] {strides = array<i32>} : memref<100x64xf32, #tpu.memory_space<vmem>>, vector<1x16xf32>,
        %get3A_125 = vector.shape_cast %get3A_124 : vector<1x16xf32> to vector<16xf32>
        %mul3A_126 = vector.broadcast %squeeze3A_120 : f32 to vector<16xf32>
        %mul3A_127 = arith.mulf %get3A_125, %mul3A_126 : vector<16xf32>
        %swap3A_128 = arith.constant 97 : i32
        %swap3A_129 = arith.index_cast %swap3A_128 : i32 to index
        %swap3A_130 = arith.constant 0 : index
        %swap3A_131 = tpu.vector_load %arg12[%swap3A_129, %swap3A_130] {strides = array<i32>} : memref<100x64xf32, #tpu.memory_space<vmem>>, vector<1x16xf32>,
        %swap3A_132 = vector.shape_cast %swap3A_131 : vector<1x16xf32> to vector<16xf32>
        %swap3A_133 = vector.shape_cast %mul3A_127 : vector<16xf32> to vector<1x16xf32>
        tpu.vector_store %arg12[%swap3A_129, %swap3A_130], %swap3A_133 {strides = array<i32>} : memref<100x64xf32, #tpu.memory_space<vmem>>, vector<1x16xf32>,
        %get3A_134 = arith.constant 97 : i32
        %get3A_135 = arith.index_cast %get3A_134 : i32 to index
        %get3A_136 = arith.constant 16 : index
        %get3A_137 = tpu.vector_load %arg12[%get3A_135, %get3A_136] {strides = array<i32>} : memref<100x64xf32, #tpu.memory_space<vmem>>, vector<1x16xf32>,
        %get3A_138 = vector.shape_cast %get3A_137 : vector<1x16xf32> to vector<16xf32>
        %mul3A_139 = vector.broadcast %squeeze3A_120 : f32 to vector<16xf32>
        %mul3A_140 = arith.mulf %get3A_138, %mul3A_139 : vector<16xf32>
        %swap3A_141 = arith.constant 97 : i32
        %swap3A_142 = arith.index_cast %swap3A_141 : i32 to index
        %swap3A_143 = arith.constant 16 : index
        %swap3A_144 = tpu.vector_load %arg12[%swap3A_142, %swap3A_143] {strides = array<i32>} : memref<100x64xf32, #tpu.memory_space<vmem>>, vector<1x16xf32>,
        %swap3A_145 = vector.shape_cast %swap3A_144 : vector<1x16xf32> to vector<16xf32>
        %swap3A_146 = vector.shape_cast %mul3A_140 : vector<16xf32> to vector<1x16xf32>
        tpu.vector_store %arg12[%swap3A_142, %swap3A_143], %swap3A_146 {strides = array<i32>} : memref<100x64xf32, #tpu.memory_space<vmem>>, vector<1x16xf32>,
        %get3A_147 = arith.constant 97 : i32
        %get3A_148 = arith.index_cast %get3A_147 : i32 to index
        %get3A_149 = arith.constant 32 : index
        %get3A_150 = tpu.vector_load %arg12[%get3A_148, %get3A_149] {strides = array<i32>} : memref<100x64xf32, #tpu.memory_space<vmem>>, vector<1x16xf32>,
        %get3A_151 = vector.shape_cast %get3A_150 : vector<1x16xf32> to vector<16xf32>
        %mul3A_152 = vector.broadcast %squeeze3A_120 : f32 to vector<16xf32>
        %mul3A_153 = arith.mulf %get3A_151, %mul3A_152 : vector<16xf32>
        %swap3A_154 = arith.constant 97 : i32
        %swap3A_155 = arith.index_cast %swap3A_154 : i32 to index
        %swap3A_156 = arith.constant 32 : index
        %swap3A_157 = tpu.vector_load %arg12[%swap3A_155, %swap3A_156] {strides = array<i32>} : memref<100x64xf32, #tpu.memory_space<vmem>>, vector<1x16xf32>,
        %swap3A_158 = vector.shape_cast %swap3A_157 : vector<1x16xf32> to vector<16xf32>
        %swap3A_159 = vector.shape_cast %mul3A_153 : vector<16xf32> to vector<1x16xf32>
        tpu.vector_store %arg12[%swap3A_155, %swap3A_156], %swap3A_159 {strides = array<i32>} : memref<100x64xf32, #tpu.memory_space<vmem>>, vector<1x16xf32>,
        %get3A_160 = arith.constant 97 : i32
        %get3A_161 = arith.index_cast %get3A_160 : i32 to index
        %get3A_162 = arith.constant 48 : index
        %get3A_163 = tpu.vector_load %arg12[%get3A_161, %get3A_162] {strides = array<i32>} : memref<100x64xf32, #tpu.memory_space<vmem>>, vector<1x16xf32>,
        %get3A_164 = vector.shape_cast %get3A_163 : vector<1x16xf32> to vector<16xf32>
        %mul3A_165 = vector.broadcast %squeeze3A_120 : f32 to vector<16xf32>
        %mul3A_166 = arith.mulf %get3A_164, %mul3A_165 : vector<16xf32>
        %swap3A_167 = arith.constant 97 : i32
        %swap3A_168 = arith.index_cast %swap3A_167 : i32 to index
        %swap3A_169 = arith.constant 48 : index
        %swap3A_170 = tpu.vector_load %arg12[%swap3A_168, %swap3A_169] {strides = array<i32>} : memref<100x64xf32, #tpu.memory_space<vmem>>, vector<1x16xf32>,
        %swap3A_171 = vector.shape_cast %swap3A_170 : vector<1x16xf32> to vector<16xf32>
        %swap3A_172 = vector.shape_cast %mul3A_166 : vector<16xf32> to vector<1x16xf32>
        tpu.vector_store %arg12[%swap3A_168, %swap3A_169], %swap3A_172 {strides = array<i32>} : memref<100x64xf32, #tpu.memory_space<vmem>>, vector<1x16xf32>,
        %slice3A_173 = vector.extract_strided_slice %get3A_67 {offsets = [2], sizes = [1], strides = [1]} : vector<4xf32> to vector<1xf32>
        %squeeze3A_174 = vector.extract %slice3A_173[0] : f32 from vector<1xf32>
        %get3A_175 = arith.constant 98 : i32
        %get3A_176 = arith.index_cast %get3A_175 : i32 to index
        %get3A_177 = arith.constant 0 : index
        %get3A_178 = tpu.vector_load %arg12[%get3A_176, %get3A_177] {strides = array<i32>} : memref<100x64xf32, #tpu.memory_space<vmem>>, vector<1x16xf32>,
        %get3A_179 = vector.shape_cast %get3A_178 : vector<1x16xf32> to vector<16xf32>
        %mul3A_180 = vector.broadcast %squeeze3A_174 : f32 to vector<16xf32>
        %mul3A_181 = arith.mulf %get3A_179, %mul3A_180 : vector<16xf32>
        %swap3A_182 = arith.constant 98 : i32
        %swap3A_183 = arith.index_cast %swap3A_182 : i32 to index
        %swap3A_184 = arith.constant 0 : index
        %swap3A_185 = tpu.vector_load %arg12[%swap3A_183, %swap3A_184] {strides = array<i32>} : memref<100x64xf32, #tpu.memory_space<vmem>>, vector<1x16xf32>,
        %swap3A_186 = vector.shape_cast %swap3A_185 : vector<1x16xf32> to vector<16xf32>
        %swap3A_187 = vector.shape_cast %mul3A_181 : vector<16xf32> to vector<1x16xf32>
        tpu.vector_store %arg12[%swap3A_183, %swap3A_184], %swap3A_187 {strides = array<i32>} : memref<100x64xf32, #tpu.memory_space<vmem>>, vector<1x16xf32>,
        %get3A_188 = arith.constant 98 : i32
        %get3A_189 = arith.index_cast %get3A_188 : i32 to index
        %get3A_190 = arith.constant 16 : index
        %get3A_191 = tpu.vector_load %arg12[%get3A_189, %get3A_190] {strides = array<i32>} : memref<100x64xf32, #tpu.memory_space<vmem>>, vector<1x16xf32>,
        %get3A_192 = vector.shape_cast %get3A_191 : vector<1x16xf32> to vector<16xf32>
        %mul3A_193 = vector.broadcast %squeeze3A_174 : f32 to vector<16xf32>
        %mul3A_194 = arith.mulf %get3A_192, %mul3A_193 : vector<16xf32>
        %swap3A_195 = arith.constant 98 : i32
        %swap3A_196 = arith.index_cast %swap3A_195 : i32 to index
        %swap3A_197 = arith.constant 16 : index
        %swap3A_198 = tpu.vector_load %arg12[%swap3A_196, %swap3A_197] {strides = array<i32>} : memref<100x64xf32, #tpu.memory_space<vmem>>, vector<1x16xf32>,
        %swap3A_199 = vector.shape_cast %swap3A_198 : vector<1x16xf32> to vector<16xf32>
        %swap3A_200 = vector.shape_cast %mul3A_194 : vector<16xf32> to vector<1x16xf32>
        tpu.vector_store %arg12[%swap3A_196, %swap3A_197], %swap3A_200 {strides = array<i32>} : memref<100x64xf32, #tpu.memory_space<vmem>>, vector<1x16xf32>,
        %get3A_201 = arith.constant 98 : i32
        %get3A_202 = arith.index_cast %get3A_201 : i32 to index
        %get3A_203 = arith.constant 32 : index
        %get3A_204 = tpu.vector_load %arg12[%get3A_202, %get3A_203] {strides = array<i32>} : memref<100x64xf32, #tpu.memory_space<vmem>>, vector<1x16xf32>,
        %get3A_205 = vector.shape_cast %get3A_204 : vector<1x16xf32> to vector<16xf32>
        %mul3A_206 = vector.broadcast %squeeze3A_174 : f32 to vector<16xf32>
        %mul3A_207 = arith.mulf %get3A_205, %mul3A_206 : vector<16xf32>
        %swap3A_208 = arith.constant 98 : i32
        %swap3A_209 = arith.index_cast %swap3A_208 : i32 to index
        %swap3A_210 = arith.constant 32 : index
        %swap3A_211 = tpu.vector_load %arg12[%swap3A_209, %swap3A_210] {strides = array<i32>} : memref<100x64xf32, #tpu.memory_space<vmem>>, vector<1x16xf32>,
        %swap3A_212 = vector.shape_cast %swap3A_211 : vector<1x16xf32> to vector<16xf32>
        %swap3A_213 = vector.shape_cast %mul3A_207 : vector<16xf32> to vector<1x16xf32>
        tpu.vector_store %arg12[%swap3A_209, %swap3A_210], %swap3A_213 {strides = array<i32>} : memref<100x64xf32, #tpu.memory_space<vmem>>, vector<1x16xf32>,
        %get3A_214 = arith.constant 98 : i32
        %get3A_215 = arith.index_cast %get3A_214 : i32 to index
        %get3A_216 = arith.constant 48 : index
        %get3A_217 = tpu.vector_load %arg12[%get3A_215, %get3A_216] {strides = array<i32>} : memref<100x64xf32, #tpu.memory_space<vmem>>, vector<1x16xf32>,
        %get3A_218 = vector.shape_cast %get3A_217 : vector<1x16xf32> to vector<16xf32>
        %mul3A_219 = vector.broadcast %squeeze3A_174 : f32 to vector<16xf32>
        %mul3A_220 = arith.mulf %get3A_218, %mul3A_219 : vector<16xf32>
        %swap3A_221 = arith.constant 98 : i32
        %swap3A_222 = arith.index_cast %swap3A_221 : i32 to index
        %swap3A_223 = arith.constant 48 : index
        %swap3A_224 = tpu.vector_load %arg12[%swap3A_222, %swap3A_223] {strides = array<i32>} : memref<100x64xf32, #tpu.memory_space<vmem>>, vector<1x16xf32>,
        %swap3A_225 = vector.shape_cast %swap3A_224 : vector<1x16xf32> to vector<16xf32>
        %swap3A_226 = vector.shape_cast %mul3A_220 : vector<16xf32> to vector<1x16xf32>
        tpu.vector_store %arg12[%swap3A_222, %swap3A_223], %swap3A_226 {strides = array<i32>} : memref<100x64xf32, #tpu.memory_space<vmem>>, vector<1x16xf32>,
        %slice3A_227 = vector.extract_strided_slice %get3A_67 {offsets = [3], sizes = [1], strides = [1]} : vector<4xf32> to vector<1xf32>
        %squeeze3A_228 = vector.extract %slice3A_227[0] : f32 from vector<1xf32>
        %get3A_229 = arith.constant 99 : i32
        %get3A_230 = arith.index_cast %get3A_229 : i32 to index
        %get3A_231 = arith.constant 0 : index
        %get3A_232 = tpu.vector_load %arg12[%get3A_230, %get3A_231] {strides = array<i32>} : memref<100x64xf32, #tpu.memory_space<vmem>>, vector<1x16xf32>,
        %get3A_233 = vector.shape_cast %get3A_232 : vector<1x16xf32> to vector<16xf32>
        %mul3A_234 = vector.broadcast %squeeze3A_228 : f32 to vector<16xf32>
        %mul3A_235 = arith.mulf %get3A_233, %mul3A_234 : vector<16xf32>
        %swap3A_236 = arith.constant 99 : i32
        %swap3A_237 = arith.index_cast %swap3A_236 : i32 to index
        %swap3A_238 = arith.constant 0 : index
        %swap3A_239 = tpu.vector_load %arg12[%swap3A_237, %swap3A_238] {strides = array<i32>} : memref<100x64xf32, #tpu.memory_space<vmem>>, vector<1x16xf32>,
        %swap3A_240 = vector.shape_cast %swap3A_239 : vector<1x16xf32> to vector<16xf32>
        %swap3A_241 = vector.shape_cast %mul3A_235 : vector<16xf32> to vector<1x16xf32>
        tpu.vector_store %arg12[%swap3A_237, %swap3A_238], %swap3A_241 {strides = array<i32>} : memref<100x64xf32, #tpu.memory_space<vmem>>, vector<1x16xf32>,
        %get3A_242 = arith.constant 99 : i32
        %get3A_243 = arith.index_cast %get3A_242 : i32 to index
        %get3A_244 = arith.constant 16 : index
        %get3A_245 = tpu.vector_load %arg12[%get3A_243, %get3A_244] {strides = array<i32>} : memref<100x64xf32, #tpu.memory_space<vmem>>, vector<1x16xf32>,
        %get3A_246 = vector.shape_cast %get3A_245 : vector<1x16xf32> to vector<16xf32>
        %mul3A_247 = vector.broadcast %squeeze3A_228 : f32 to vector<16xf32>
        %mul3A_248 = arith.mulf %get3A_246, %mul3A_247 : vector<16xf32>
        %swap3A_249 = arith.constant 99 : i32
        %swap3A_250 = arith.index_cast %swap3A_249 : i32 to index
        %swap3A_251 = arith.constant 16 : index
        %swap3A_252 = tpu.vector_load %arg12[%swap3A_250, %swap3A_251] {strides = array<i32>} : memref<100x64xf32, #tpu.memory_space<vmem>>, vector<1x16xf32>,
        %swap3A_253 = vector.shape_cast %swap3A_252 : vector<1x16xf32> to vector<16xf32>
        %swap3A_254 = vector.shape_cast %mul3A_248 : vector<16xf32> to vector<1x16xf32>
        tpu.vector_store %arg12[%swap3A_250, %swap3A_251], %swap3A_254 {strides = array<i32>} : memref<100x64xf32, #tpu.memory_space<vmem>>, vector<1x16xf32>,
        %get3A_255 = arith.constant 99 : i32
        %get3A_256 = arith.index_cast %get3A_255 : i32 to index
        %get3A_257 = arith.constant 32 : index
        %get3A_258 = tpu.vector_load %arg12[%get3A_256, %get3A_257] {strides = array<i32>} : memref<100x64xf32, #tpu.memory_space<vmem>>, vector<1x16xf32>,
        %get3A_259 = vector.shape_cast %get3A_258 : vector<1x16xf32> to vector<16xf32>
        %mul3A_260 = vector.broadcast %squeeze3A_228 : f32 to vector<16xf32>
        %mul3A_261 = arith.mulf %get3A_259, %mul3A_260 : vector<16xf32>
        %swap3A_262 = arith.constant 99 : i32
        %swap3A_263 = arith.index_cast %swap3A_262 : i32 to index
        %swap3A_264 = arith.constant 32 : index
        %swap3A_265 = tpu.vector_load %arg12[%swap3A_263, %swap3A_264] {strides = array<i32>} : memref<100x64xf32, #tpu.memory_space<vmem>>, vector<1x16xf32>,
        %swap3A_266 = vector.shape_cast %swap3A_265 : vector<1x16xf32> to vector<16xf32>
        %swap3A_267 = vector.shape_cast %mul3A_261 : vector<16xf32> to vector<1x16xf32>
        tpu.vector_store %arg12[%swap3A_263, %swap3A_264], %swap3A_267 {strides = array<i32>} : memref<100x64xf32, #tpu.memory_space<vmem>>, vector<1x16xf32>,
        %get3A_268 = arith.constant 99 : i32
        %get3A_269 = arith.index_cast %get3A_268 : i32 to index
        %get3A_270 = arith.constant 48 : index
        %get3A_271 = tpu.vector_load %arg12[%get3A_269, %get3A_270] {strides = array<i32>} : memref<100x64xf32, #tpu.memory_space<vmem>>, vector<1x16xf32>,
        %get3A_272 = vector.shape_cast %get3A_271 : vector<1x16xf32> to vector<16xf32>
        %mul3A_273 = vector.broadcast %squeeze3A_228 : f32 to vector<16xf32>
        %mul3A_274 = arith.mulf %get3A_272, %mul3A_273 : vector<16xf32>
        %swap3A_275 = arith.constant 99 : i32
        %swap3A_276 = arith.index_cast %swap3A_275 : i32 to index
        %swap3A_277 = arith.constant 48 : index
        %swap3A_278 = tpu.vector_load %arg12[%swap3A_276, %swap3A_277] {strides = array<i32>} : memref<100x64xf32, #tpu.memory_space<vmem>>, vector<1x16xf32>,
        %swap3A_279 = vector.shape_cast %swap3A_278 : vector<1x16xf32> to vector<16xf32>
        %swap3A_280 = vector.shape_cast %mul3A_274 : vector<16xf32> to vector<1x16xf32>
        tpu.vector_store %arg12[%swap3A_276, %swap3A_277], %swap3A_280 {strides = array<i32>} : memref<100x64xf32, #tpu.memory_space<vmem>>, vector<1x16xf32>,
        "tpu.region"() ({
          %run_scoped3A = tpu.sem_alloc : memref<!tpu.dma_semaphore, #tpu.memory_space<semaphore_mem>>
          %dma_start3A_281 = arith.constant 0 : i32
          %dma_start3A_282 = tpu.memref_slice %arg10[%scan3A_48, %dma_start3A_281] : memref<8x100xi32, #tpu.memory_space<vmem>> -> memref<1x100xi32, #tpu.memory_space<vmem>>
          %dma_start3A_283 = tpu.memref_squeeze %dma_start3A_282 : memref<1x100xi32, #tpu.memory_space<vmem>> -> memref<100xi32, #tpu.memory_space<vmem>>
          %dma_start3A_284 = arith.constant 0 : i32
          %dma_start3A_285 = arith.constant 0 : i32
          %dma_start3A_286 = tpu.memref_slice %arg7[%dma_start3A_284, %dma_start3A_285] : memref<10240x64xf32, #tpu.memory_space<vmem_shared>> -> memref<10240x64xf32, #tpu.memory_space<vmem_shared>>
          tpu.enqueue_indirect_dma source(%arg12 : memref<100x64xf32, #tpu.memory_space<vmem>>) target(%dma_start3A_286 : memref<10240x64xf32, #tpu.memory_space<vmem_shared>>) offsets(%dma_start3A_283 : memref<100xi32, #tpu.memory_space<vmem>>) semaphore(%run_scoped3A : memref<!tpu.dma_semaphore, #tpu.memory_space<semaphore_mem>>) {add = true}
          %dma_wait3A_287 = arith.constant 0 : i32
          %dma_wait3A_288 = tpu.memref_slice %arg10[%scan3A_48, %dma_wait3A_287] : memref<8x100xi32, #tpu.memory_space<vmem>> -> memref<1x100xi32, #tpu.memory_space<vmem>>
          %dma_wait3A_289 = tpu.memref_squeeze %dma_wait3A_288 : memref<1x100xi32, #tpu.memory_space<vmem>> -> memref<100xi32, #tpu.memory_space<vmem>>
          %dma_wait3A_290 = arith.constant 0 : i32
          %dma_wait3A_291 = arith.constant 0 : i32
          %dma_wait3A_292 = tpu.memref_slice %arg7[%dma_wait3A_290, %dma_wait3A_291] : memref<10240x64xf32, #tpu.memory_space<vmem_shared>> -> memref<10240x64xf32, #tpu.memory_space<vmem_shared>>
          tpu.wait_indirect_dma semaphore(%run_scoped3A : memref<!tpu.dma_semaphore, #tpu.memory_space<semaphore_mem>>) src(%arg12 : memref<100x64xf32, #tpu.memory_space<vmem>>) dst(%dma_wait3A_292 : memref<10240x64xf32, #tpu.memory_space<vmem_shared>>)
          tpu.yield
        }) : () -> ()
        "tpu.region"() ({
          %run_scoped3A = tpu.sem_alloc : memref<!tpu.dma_semaphore, #tpu.memory_space<semaphore_mem>>
          %dma_start3A_281 = arith.constant 0 : i32
          %dma_start3A_282 = tpu.memref_slice %arg10[%scan3A_48, %dma_start3A_281] : memref<8x100xi32, #tpu.memory_space<vmem>> -> memref<1x100xi32, #tpu.memory_space<vmem>>
          %dma_start3A_283 = tpu.memref_squeeze %dma_start3A_282 : memref<1x100xi32, #tpu.memory_space<vmem>> -> memref<100xi32, #tpu.memory_space<vmem>>
          %dma_start3A_284 = arith.constant 0 : i32
          %dma_start3A_285 = arith.constant 0 : i32
          %dma_start3A_286 = tpu.memref_slice %arg8[%dma_start3A_284, %dma_start3A_285] : memref<10240x16xf32, #tpu.memory_space<vmem_shared>> -> memref<10240x16xf32, #tpu.memory_space<vmem_shared>>
          tpu.enqueue_indirect_dma source(%arg13 : memref<100x16xf32, #tpu.memory_space<vmem>>) target(%dma_start3A_286 : memref<10240x16xf32, #tpu.memory_space<vmem_shared>>) offsets(%dma_start3A_283 : memref<100xi32, #tpu.memory_space<vmem>>) semaphore(%run_scoped3A : memref<!tpu.dma_semaphore, #tpu.memory_space<semaphore_mem>>) {add = true}
          %dma_wait3A_287 = arith.constant 0 : i32
          %dma_wait3A_288 = tpu.memref_slice %arg10[%scan3A_48, %dma_wait3A_287] : memref<8x100xi32, #tpu.memory_space<vmem>> -> memref<1x100xi32, #tpu.memory_space<vmem>>
          %dma_wait3A_289 = tpu.memref_squeeze %dma_wait3A_288 : memref<1x100xi32, #tpu.memory_space<vmem>> -> memref<100xi32, #tpu.memory_space<vmem>>
          %dma_wait3A_290 = arith.constant 0 : i32
          %dma_wait3A_291 = arith.constant 0 : i32
          %dma_wait3A_292 = tpu.memref_slice %arg8[%dma_wait3A_290, %dma_wait3A_291] : memref<10240x16xf32, #tpu.memory_space<vmem_shared>> -> memref<10240x16xf32, #tpu.memory_space<vmem_shared>>
          tpu.wait_indirect_dma semaphore(%run_scoped3A : memref<!tpu.dma_semaphore, #tpu.memory_space<semaphore_mem>>) src(%arg13 : memref<100x16xf32, #tpu.memory_space<vmem>>) dst(%dma_wait3A_292 : memref<10240x16xf32, #tpu.memory_space<vmem_shared>>)
          tpu.yield
        }) : () -> ()
      }
      %scan3A_47 = arith.constant 8 : i32
    }
    %scan3A_24 = arith.constant 25 : i32
    %barrier3A_25 = arith.constant 0 : index
    tpu.barrier barrier_id(%barrier3A_25)
    "tpu.region"() ({
      %run_scoped3A = tpu.sem_alloc : memref<!tpu.dma_semaphore, #tpu.memory_space<semaphore_mem>>
      %dma_start3A = arith.constant 0 : i32
      %dma_start3A_38 = tpu.memref_slice %arg7[%mul3A_16, %dma_start3A] : memref<10240x64xf32, #tpu.memory_space<vmem_shared>> -> memref<640x64xf32, #tpu.memory_space<vmem_shared>>
      %dma_start3A_39 = arith.constant 0 : i32
      %dma_start3A_40 = tpu.memref_slice %arg7[%mul3A_16, %dma_start3A_39] : memref<10240x64xf32, #tpu.memory_space<vmem_shared>> -> memref<640x64xf32, #tpu.memory_space<vmem_shared>>
      tpu.enqueue_dma source(%dma_start3A_40 : memref<640x64xf32, #tpu.memory_space<vmem_shared>>) target(%arg14 : memref<640x64xf32, #tpu.memory_space<vmem>>) target_semaphore(%run_scoped3A : memref<!tpu.dma_semaphore, #tpu.memory_space<semaphore_mem>>)
      %dma_wait3A = arith.constant 0 : i32
      %dma_wait3A_41 = tpu.memref_slice %arg7[%mul3A_16, %dma_wait3A] : memref<10240x64xf32, #tpu.memory_space<vmem_shared>> -> memref<640x64xf32, #tpu.memory_space<vmem_shared>>
      %dma_wait3A_42 = arith.constant 0 : i32
      %dma_wait3A_43 = tpu.memref_slice %arg7[%mul3A_16, %dma_wait3A_42] : memref<10240x64xf32, #tpu.memory_space<vmem_shared>> -> memref<640x64xf32, #tpu.memory_space<vmem_shared>>
      tpu.wait_dma2 semaphore(%run_scoped3A : memref<!tpu.dma_semaphore, #tpu.memory_space<semaphore_mem>>) src(%dma_wait3A_43 : memref<640x64xf32, #tpu.memory_space<vmem_shared>>) dst(%arg14 : memref<640x64xf32, #tpu.memory_space<vmem>>)
      tpu.yield
    }) : () -> ()
    "tpu.region"() ({
      %run_scoped3A = tpu.sem_alloc : memref<!tpu.dma_semaphore, #tpu.memory_space<semaphore_mem>>
      %dma_start3A = arith.constant 0 : i32
      %dma_start3A_38 = tpu.memref_slice %arg8[%mul3A_16, %dma_start3A] : memref<10240x16xf32, #tpu.memory_space<vmem_shared>> -> memref<640x16xf32, #tpu.memory_space<vmem_shared>>
      %dma_start3A_39 = arith.constant 0 : i32
      %dma_start3A_40 = tpu.memref_slice %arg8[%mul3A_16, %dma_start3A_39] : memref<10240x16xf32, #tpu.memory_space<vmem_shared>> -> memref<640x16xf32, #tpu.memory_space<vmem_shared>>
      tpu.enqueue_dma source(%dma_start3A_40 : memref<640x16xf32, #tpu.memory_space<vmem_shared>>) target(%arg15 : memref<640x16xf32, #tpu.memory_space<vmem>>) target_semaphore(%run_scoped3A : memref<!tpu.dma_semaphore, #tpu.memory_space<semaphore_mem>>)
      %dma_wait3A = arith.constant 0 : i32
      %dma_wait3A_41 = tpu.memref_slice %arg8[%mul3A_16, %dma_wait3A] : memref<10240x16xf32, #tpu.memory_space<vmem_shared>> -> memref<640x16xf32, #tpu.memory_space<vmem_shared>>
      %dma_wait3A_42 = arith.constant 0 : i32
      %dma_wait3A_43 = tpu.memref_slice %arg8[%mul3A_16, %dma_wait3A_42] : memref<10240x16xf32, #tpu.memory_space<vmem_shared>> -> memref<640x16xf32, #tpu.memory_space<vmem_shared>>
      tpu.wait_dma2 semaphore(%run_scoped3A : memref<!tpu.dma_semaphore, #tpu.memory_space<semaphore_mem>>) src(%dma_wait3A_43 : memref<640x16xf32, #tpu.memory_space<vmem_shared>>) dst(%arg15 : memref<640x16xf32, #tpu.memory_space<vmem>>)
      tpu.yield
    }) : () -> ()
    %scan3A_26 = arith.constant 0 : i32
    %scan3A_27 = arith.constant 0 : i32
    %scan3A_28 = arith.constant 640 : i32
    %scan3A_29 = arith.addi %scan3A_27, %scan3A_28 : i32
    %scan3A_30 = arith.constant 1 : i32
    scf.for %scan3A_38 = %scan3A_27 to %scan3A_29 step %scan3A_30  : i32 {
      %get3A = arith.index_cast %scan3A_38 : i32 to index
      %get3A_39 = arith.constant 0 : index
      %get3A_40 = tpu.vector_load %arg15[%get3A, %get3A_39] {strides = array<i32>} : memref<640x16xf32, #tpu.memory_space<vmem>>, vector<1x16xf32>,
      %get3A_41 = vector.shape_cast %get3A_40 : vector<1x16xf32> to vector<16xf32>
      %max3A = arith.constant 1.000000e+00 : f32
      %max3A_42 = vector.broadcast %max3A : f32 to vector<16xf32>
      %max3A_43 = arith.maximumf %get3A_41, %max3A_42 : vector<16xf32>
      %div3A = arith.divf %broadcast_in_dim3A_3, %max3A_43 : vector<16xf32>
      %get3A_44 = arith.index_cast %scan3A_38 : i32 to index
      %get3A_45 = arith.constant 0 : index
      %get3A_46 = tpu.vector_load %arg14[%get3A_44, %get3A_45] {strides = array<i32>} : memref<640x64xf32, #tpu.memory_space<vmem>>, vector<1x16xf32>,
      %get3A_47 = vector.shape_cast %get3A_46 : vector<1x16xf32> to vector<16xf32>
      %mul3A_48 = arith.mulf %get3A_47, %div3A : vector<16xf32>
      %swap3A = arith.index_cast %scan3A_38 : i32 to index
      %swap3A_49 = arith.constant 0 : index
      %swap3A_50 = tpu.vector_load %arg14[%swap3A, %swap3A_49] {strides = array<i32>} : memref<640x64xf32, #tpu.memory_space<vmem>>, vector<1x16xf32>,
      %swap3A_51 = vector.shape_cast %swap3A_50 : vector<1x16xf32> to vector<16xf32>
      %swap3A_52 = vector.shape_cast %mul3A_48 : vector<16xf32> to vector<1x16xf32>
      tpu.vector_store %arg14[%swap3A, %swap3A_49], %swap3A_52 {strides = array<i32>} : memref<640x64xf32, #tpu.memory_space<vmem>>, vector<1x16xf32>,
      %get3A_53 = arith.index_cast %scan3A_38 : i32 to index
      %get3A_54 = arith.constant 16 : index
      %get3A_55 = tpu.vector_load %arg14[%get3A_53, %get3A_54] {strides = array<i32>} : memref<640x64xf32, #tpu.memory_space<vmem>>, vector<1x16xf32>,
      %get3A_56 = vector.shape_cast %get3A_55 : vector<1x16xf32> to vector<16xf32>
      %mul3A_57 = arith.mulf %get3A_56, %div3A : vector<16xf32>
      %swap3A_58 = arith.index_cast %scan3A_38 : i32 to index
      %swap3A_59 = arith.constant 16 : index
      %swap3A_60 = tpu.vector_load %arg14[%swap3A_58, %swap3A_59] {strides = array<i32>} : memref<640x64xf32, #tpu.memory_space<vmem>>, vector<1x16xf32>,
      %swap3A_61 = vector.shape_cast %swap3A_60 : vector<1x16xf32> to vector<16xf32>
      %swap3A_62 = vector.shape_cast %mul3A_57 : vector<16xf32> to vector<1x16xf32>
      tpu.vector_store %arg14[%swap3A_58, %swap3A_59], %swap3A_62 {strides = array<i32>} : memref<640x64xf32, #tpu.memory_space<vmem>>, vector<1x16xf32>,
      %get3A_63 = arith.index_cast %scan3A_38 : i32 to index
      %get3A_64 = arith.constant 32 : index
      %get3A_65 = tpu.vector_load %arg14[%get3A_63, %get3A_64] {strides = array<i32>} : memref<640x64xf32, #tpu.memory_space<vmem>>, vector<1x16xf32>,
      %get3A_66 = vector.shape_cast %get3A_65 : vector<1x16xf32> to vector<16xf32>
      %mul3A_67 = arith.mulf %get3A_66, %div3A : vector<16xf32>
      %swap3A_68 = arith.index_cast %scan3A_38 : i32 to index
      %swap3A_69 = arith.constant 32 : index
      %swap3A_70 = tpu.vector_load %arg14[%swap3A_68, %swap3A_69] {strides = array<i32>} : memref<640x64xf32, #tpu.memory_space<vmem>>, vector<1x16xf32>,
      %swap3A_71 = vector.shape_cast %swap3A_70 : vector<1x16xf32> to vector<16xf32>
      %swap3A_72 = vector.shape_cast %mul3A_67 : vector<16xf32> to vector<1x16xf32>
      tpu.vector_store %arg14[%swap3A_68, %swap3A_69], %swap3A_72 {strides = array<i32>} : memref<640x64xf32, #tpu.memory_space<vmem>>, vector<1x16xf32>,
      %get3A_73 = arith.index_cast %scan3A_38 : i32 to index
      %get3A_74 = arith.constant 48 : index
      %get3A_75 = tpu.vector_load %arg14[%get3A_73, %get3A_74] {strides = array<i32>} : memref<640x64xf32, #tpu.memory_space<vmem>>, vector<1x16xf32>,
      %get3A_76 = vector.shape_cast %get3A_75 : vector<1x16xf32> to vector<16xf32>
      %mul3A_77 = arith.mulf %get3A_76, %div3A : vector<16xf32>
      %swap3A_78 = arith.index_cast %scan3A_38 : i32 to index
      %swap3A_79 = arith.constant 48 : index
      %swap3A_80 = tpu.vector_load %arg14[%swap3A_78, %swap3A_79] {strides = array<i32>} : memref<640x64xf32, #tpu.memory_space<vmem>>, vector<1x16xf32>,
      %swap3A_81 = vector.shape_cast %swap3A_80 : vector<1x16xf32> to vector<16xf32>
      %swap3A_82 = vector.shape_cast %mul3A_77 : vector<16xf32> to vector<1x16xf32>
      tpu.vector_store %arg14[%swap3A_78, %swap3A_79], %swap3A_82 {strides = array<i32>} : memref<640x64xf32, #tpu.memory_space<vmem>>, vector<1x16xf32>,
    }
    %scan3A_31 = arith.constant 640 : i32
    %lt3A = arith.constant 15 : i32
    %lt3A_32 = arith.cmpi slt, %arg1, %lt3A : i32
    %convert_element_type3A = arith.extui %lt3A_32 : i1 to i32
    %cond3A = arith.constant 0 : i32
    %cond3A_33 = arith.cmpi ne, %convert_element_type3A, %cond3A : i32
    scf.if %cond3A_33 {
      "tpu.region"() ({
        %run_scoped3A = tpu.sem_alloc : memref<!tpu.dma_semaphore, #tpu.memory_space<semaphore_mem>>
        %dma_start3A = arith.constant 0 : i32
        %dma_start3A_38 = tpu.memref_slice %arg6[%arg0, %mul3A_16, %dma_start3A] : memref<2x10000x64xf32, #tpu.memory_space<hbm>> -> memref<1x640x64xf32, #tpu.memory_space<hbm>>
        %dma_start3A_39 = tpu.memref_squeeze %dma_start3A_38 : memref<1x640x64xf32, #tpu.memory_space<hbm>> -> memref<640x64xf32, #tpu.memory_space<hbm>>
        %dma_start3A_40 = arith.constant 0 : i32
        %dma_start3A_41 = tpu.memref_slice %arg6[%arg0, %mul3A_16, %dma_start3A_40] : memref<2x10000x64xf32, #tpu.memory_space<hbm>> -> memref<1x640x64xf32, #tpu.memory_space<hbm>>
        %dma_start3A_42 = tpu.memref_squeeze %dma_start3A_41 : memref<1x640x64xf32, #tpu.memory_space<hbm>> -> memref<640x64xf32, #tpu.memory_space<hbm>>
        tpu.enqueue_dma source(%arg14 : memref<640x64xf32, #tpu.memory_space<vmem>>) target(%dma_start3A_42 : memref<640x64xf32, #tpu.memory_space<hbm>>) target_semaphore(%run_scoped3A : memref<!tpu.dma_semaphore, #tpu.memory_space<semaphore_mem>>)
        %dma_wait3A = arith.constant 0 : i32
        %dma_wait3A_43 = tpu.memref_slice %arg6[%arg0, %mul3A_16, %dma_wait3A] : memref<2x10000x64xf32, #tpu.memory_space<hbm>> -> memref<1x640x64xf32, #tpu.memory_space<hbm>>
        %dma_wait3A_44 = tpu.memref_squeeze %dma_wait3A_43 : memref<1x640x64xf32, #tpu.memory_space<hbm>> -> memref<640x64xf32, #tpu.memory_space<hbm>>
        %dma_wait3A_45 = arith.constant 0 : i32
        %dma_wait3A_46 = tpu.memref_slice %arg6[%arg0, %mul3A_16, %dma_wait3A_45] : memref<2x10000x64xf32, #tpu.memory_space<hbm>> -> memref<1x640x64xf32, #tpu.memory_space<hbm>>
        %dma_wait3A_47 = tpu.memref_squeeze %dma_wait3A_46 : memref<1x640x64xf32, #tpu.memory_space<hbm>> -> memref<640x64xf32, #tpu.memory_space<hbm>>
        tpu.wait_dma2 semaphore(%run_scoped3A : memref<!tpu.dma_semaphore, #tpu.memory_space<semaphore_mem>>) src(%arg14 : memref<640x64xf32, #tpu.memory_space<vmem>>) dst(%dma_wait3A_47 : memref<640x64xf32, #tpu.memory_space<hbm>>)
        tpu.yield
      }) : () -> ()
    } else {
    }
    %eq3A = arith.constant 15 : i32
    %eq3A_34 = arith.cmpi eq, %arg1, %eq3A : i32
    %convert_element_type3A_35 = arith.extui %eq3A_34 : i1 to i32
    %cond3A_36 = arith.constant 0 : i32
    %cond3A_37 = arith.cmpi ne, %convert_element_type3A_35, %cond3A_36 : i32
    scf.if %cond3A_37 {
      "tpu.region"() ({
        %run_scoped3A = tpu.sem_alloc : memref<!tpu.dma_semaphore, #tpu.memory_space<semaphore_mem>>
        %dma_start3A = arith.constant 0 : i32
        %dma_start3A_38 = arith.constant 0 : i32
        %dma_start3A_39 = tpu.memref_slice %arg14[%dma_start3A, %dma_start3A_38] : memref<640x64xf32, #tpu.memory_space<vmem>> -> memref<400x64xf32, #tpu.memory_space<vmem>>
        %dma_start3A_40 = arith.constant 0 : i32
        %dma_start3A_41 = tpu.memref_slice %arg6[%arg0, %mul3A_16, %dma_start3A_40] : memref<2x10000x64xf32, #tpu.memory_space<hbm>> -> memref<1x400x64xf32, #tpu.memory_space<hbm>>
        %dma_start3A_42 = tpu.memref_squeeze %dma_start3A_41 : memref<1x400x64xf32, #tpu.memory_space<hbm>> -> memref<400x64xf32, #tpu.memory_space<hbm>>
        %dma_start3A_43 = arith.constant 0 : i32
        %dma_start3A_44 = tpu.memref_slice %arg6[%arg0, %mul3A_16, %dma_start3A_43] : memref<2x10000x64xf32, #tpu.memory_space<hbm>> -> memref<1x400x64xf32, #tpu.memory_space<hbm>>
        %dma_start3A_45 = tpu.memref_squeeze %dma_start3A_44 : memref<1x400x64xf32, #tpu.memory_space<hbm>> -> memref<400x64xf32, #tpu.memory_space<hbm>>
        %dma_start3A_46 = arith.constant 0 : i32
        %dma_start3A_47 = arith.constant 0 : i32
        %dma_start3A_48 = tpu.memref_slice %arg14[%dma_start3A_46, %dma_start3A_47] : memref<640x64xf32, #tpu.memory_space<vmem>> -> memref<400x64xf32, #tpu.memory_space<vmem>>
        tpu.enqueue_dma source(%dma_start3A_48 : memref<400x64xf32, #tpu.memory_space<vmem>>) target(%dma_start3A_45 : memref<400x64xf32, #tpu.memory_space<hbm>>) target_semaphore(%run_scoped3A : memref<!tpu.dma_semaphore, #tpu.memory_space<semaphore_mem>>)
        %dma_wait3A = arith.constant 0 : i32
        %dma_wait3A_49 = arith.constant 0 : i32
        %dma_wait3A_50 = tpu.memref_slice %arg14[%dma_wait3A, %dma_wait3A_49] : memref<640x64xf32, #tpu.memory_space<vmem>> -> memref<400x64xf32, #tpu.memory_space<vmem>>
        %dma_wait3A_51 = arith.constant 0 : i32
        %dma_wait3A_52 = tpu.memref_slice %arg6[%arg0, %mul3A_16, %dma_wait3A_51] : memref<2x10000x64xf32, #tpu.memory_space<hbm>> -> memref<1x400x64xf32, #tpu.memory_space<hbm>>
        %dma_wait3A_53 = tpu.memref_squeeze %dma_wait3A_52 : memref<1x400x64xf32, #tpu.memory_space<hbm>> -> memref<400x64xf32, #tpu.memory_space<hbm>>
        %dma_wait3A_54 = arith.constant 0 : i32
        %dma_wait3A_55 = tpu.memref_slice %arg6[%arg0, %mul3A_16, %dma_wait3A_54] : memref<2x10000x64xf32, #tpu.memory_space<hbm>> -> memref<1x400x64xf32, #tpu.memory_space<hbm>>
        %dma_wait3A_56 = tpu.memref_squeeze %dma_wait3A_55 : memref<1x400x64xf32, #tpu.memory_space<hbm>> -> memref<400x64xf32, #tpu.memory_space<hbm>>
        %dma_wait3A_57 = arith.constant 0 : i32
        %dma_wait3A_58 = arith.constant 0 : i32
        %dma_wait3A_59 = tpu.memref_slice %arg14[%dma_wait3A_57, %dma_wait3A_58] : memref<640x64xf32, #tpu.memory_space<vmem>> -> memref<400x64xf32, #tpu.memory_space<vmem>>
        tpu.wait_dma2 semaphore(%run_scoped3A : memref<!tpu.dma_semaphore, #tpu.memory_space<semaphore_mem>>) src(%dma_wait3A_59 : memref<400x64xf32, #tpu.memory_space<vmem>>) dst(%dma_wait3A_56 : memref<400x64xf32, #tpu.memory_space<hbm>>)
        tpu.yield
      }) : () -> ()
    } else {
    }
    return
  }
}

</mosaic_0001>

<sc_bundles>
// kernel: _prop_conv_sc.3.cloned.1.call-start
scs
__scs_entry_jumppad:
0x0: {  	(pc) =	sbr.rel $0x88, $3  }
0x1: {  	(tag) =	ssettag $0x0;
	lr =	simm.s32 $0x1  }
0x2: {  	[smem:$0x3F9D] =	sst lr;
	_ =	strace $0xD0000000  }
0x3: {  	_ = 	snop  }
0x4: {  	_ = 	snop  }
0x5: {  	_ = 	snop  }
0x6: {  	_ = 	snop  }
0x7: {  	_ = 	snop  }
__scs_overlays_trampoline_lowered:
0x8: {  	[smem:$0x3FAC] =	sst s0  }
0x9: {  	[smem:$0x3FAD] =	sst s1  }
0xa: {  	[smem:$0x3FAE] =	sst s2  }
0xb: {  	[smem:$0x3FAF] =	sst s3  }
0xc: {  	[smem:$0x3FB0] =	sst s4  }
0xd: {  	[smem:$0x3FB1] =	sst s5  }
0xe: {  	[smem:$0x3FB2] =	sst s6  }
0xf: {  	[smem:$0x3FB3] =	sst s7  }
0x10: {  	[smem:$0x3FB4] =	sst s8  }
0x11: {  	[smem:$0x3FB5] =	sst s9;
	s0 =	simm.s32 @!p0 $0x0  }
0x12: {  	s1 =	sld [smem:$0x3F9B];
	s0 =	simm.s32 @p0 $0x1  }
0x13: {  	[smem:$0x3FB6] =	sst s0;
	s0 =	simm.s32 @!p1 $0x0  }
0x14: {  	s2 =	sld [smem:$0x3F9A];
	s0 =	simm.s32 @p1 $0x1  }
0x15: {  	[smem:$0x3FB7] =	sst s0;
	s0 =	simm.s32 @!p2 $0x0  }
0x16: {  	s3 =	sld [smem:$0x3FDB];
	s0 =	simm.s32 @p2 $0x1  }
0x17: {  	s4 =	simm.s32 $0x1BF5;
	[smem:$0x3FB9] =	sst s0  }
0x18: {  	s0 =	sld [smem:$0x3F9C];
	_ =	swait.ge [sflag:s4], $0x0  }
0x19: {  	s7 =	sld [smem:$0x3F9D]  }
0x1a: {  	s8 =	sadd.s32 $0xFFFFE003, lr  }
0x1b: {  	s9 =	sadd.s32 $0xFFFFFEF7, lr;
	s5 =	simm.s32 $0xFFFFFFFF;
	p2 =	slt.u32 s8, $0xFFFFF086  }
0x1c: {  	p1 =	slt.u32 s9, $0xF7A;
	s5 =	simm.s32 @!p2 $0x0  }
0x1d: {  	s5 =	simm.s32 @p1 $0x1;
	p0 =	seq.s32 s7, s2  }
0x1e: {  	s7 =	smul.u32 @!p0 $0xF7A, s2;
	p2 =	seq.s32 @!p0 s5, $0x0  }
0x1f: {  	s9 =	smul.u32 $0xF7A, s1;
	s8 =	simm.s32 @!p0 $0x1BF5;
	p2 =	por !p2, p0  }
0x20: {  	[sflag:s8] =	ssyncset.s32 @!p0 $0xFFFFF086;
	s6 =	sadd.s32 @!p0 s3, s7;
	s7 =	simm.s32 @!p0 $0x108  }
0x21: {  	s3 =	sadd.s32 s3, s9;
	s6 =	sadd.s32 @!p0 $0x88, s6;
	s7 =	simm.s32 @p2 $0x1082  }
0x22: {  	[simem:s7], [sflag:s8] =	dma.local @!p0 [hbm:s6], $0xF7A  }
0x23: {  	s9 =	sor.u32 $0xD0000000, s2;
	s6 =	simm.s32 $0x108;
	_ =	swait.ge @!p0 [sflag:s8], $0x0  }
0x24: {  	s3 =	sadd.s32 $0x88, s3;
	s6 =	simm.s32 @!p1 $0x1082;
	[sflag:s4] =	ssyncset.s32 $0xFFFFF086  }
0x25: {  	[simem:s6], [sflag:s4] =	dma.local [hbm:s3], $0xF7A  }
0x26: {  	[smem:$0x3F9D] =	sst s1;
	(tag) =	ssettag s2;
	_ =	strace s9  }
0x27: {  	s1 =	sld [smem:$0x3FAD]  }
0x28: {  	s2 =	sld [smem:$0x3FAE]  }
0x29: {  	s4 =	sld [smem:$0x3FB0]  }
0x2a: {  	p0 =	seq.s32 s5, $0x0;
	s5 =	sld [smem:$0x3FB1]  }
0x2b: {  	s6 =	sld [smem:$0x3FB2]  }
0x2c: {  	s7 =	sld [smem:$0x3FB3]  }
0x2d: {  	s3 =	simm.s32 $0x108;
	s8 =	sld [smem:$0x3FB4]  }
0x2e: {  	s3 =	simm.s32 @!p0 $0x1082;
	s9 =	sld [smem:$0x3FB5]  }
0x2f: {  	lr =	sadd.s32 s0, s3;
	s0 =	sld [smem:$0x3FAC]  }
0x30: {  	s3 =	sld [smem:$0x3FAF]  }
0x31: {  	[smem:$0x3FB8] =	sst s10  }
0x32: {  	s10 =	sld [smem:$0x3FB6];
	_ =	sdelay $0x3  }
0x33: {  	p0 =	seq.s32 s10, $0x1;
	s10 =	sld [smem:$0x3FB8];
	_ =	sdelay $0x3  }
0x34: {  	[smem:$0x3FB8] =	sst s10  }
0x35: {  	s10 =	sld [smem:$0x3FB7];
	_ =	sdelay $0x3  }
0x36: {  	p1 =	seq.s32 s10, $0x1;
	s10 =	sld [smem:$0x3FB8];
	_ =	sdelay $0x3  }
0x37: {  	[smem:$0x3FB8] =	sst s10  }
0x38: {  	s10 =	sld [smem:$0x3FB9]  }
0x39: {  	_ = 	snop;
	(pc) =	sbr.ind lr, $3  }
0x3a: {  	_ = 	snop  }
0x3b: {  	_ = 	snop  }
0x3c: {  	p2 =	seq.s32 s10, $0x1;
	s10 =	sld [smem:$0x3FB8]  }
0x3d: {  	_ =	shalt  }
0x3e: {  	_ =	shalt  }
0x3f: {  	_ =	shalt  }
0x40: {  	_ =	shalt  }
0x41: {  	_ =	shalt  }
0x42: {  	_ =	shalt  }
0x43: {  	_ =	shalt  }
0x44: {  	_ =	shalt  }
0x45: {  	_ =	shalt  }
0x46: {  	_ =	shalt  }
0x47: {  	_ =	shalt  }
0x48: {  	_ =	shalt  }
0x49: {  	_ =	shalt  }
0x4a: {  	_ =	shalt  }
0x4b: {  	_ =	shalt  }
0x4c: {  	_ =	shalt  }
0x4d: {  	_ =	shalt  }
0x4e: {  	_ =	shalt  }
0x4f: {  	_ =	shalt  }
0x50: {  	_ =	shalt  }
0x51: {  	_ =	shalt  }
0x52: {  	_ =	shalt  }
0x53: {  	_ =	shalt  }
0x54: {  	_ =	shalt  }
0x55: {  	_ =	shalt  }
0x56: {  	_ =	shalt  }
0x57: {  	_ =	shalt  }
0x58: {  	_ =	shalt  }
0x59: {  	_ =	shalt  }
0x5a: {  	_ =	shalt  }
0x5b: {  	_ =	shalt  }
0x5c: {  	_ =	shalt  }
0x5d: {  	_ =	shalt  }
0x5e: {  	_ =	shalt  }
0x5f: {  	_ =	shalt  }
0x60: {  	_ =	shalt  }
0x61: {  	_ =	shalt  }
0x62: {  	_ =	shalt  }
0x63: {  	_ =	shalt  }
0x64: {  	_ =	shalt  }
0x65: {  	_ =	shalt  }
0x66: {  	_ =	shalt  }
0x67: {  	_ =	shalt  }
0x68: {  	_ =	shalt  }
0x69: {  	_ =	shalt  }
0x6a: {  	_ =	shalt  }
0x6b: {  	_ =	shalt  }
0x6c: {  	_ =	shalt  }
0x6d: {  	_ =	shalt  }
0x6e: {  	_ =	shalt  }
0x6f: {  	_ =	shalt  }
0x70: {  	_ =	shalt  }
0x71: {  	_ =	shalt  }
0x72: {  	_ =	shalt  }
0x73: {  	_ =	shalt  }
0x74: {  	_ =	shalt  }
0x75: {  	_ =	shalt  }
0x76: {  	_ =	shalt  }
0x77: {  	_ =	shalt  }
0x78: {  	_ =	shalt  }
0x79: {  	_ =	shalt  }
0x7a: {  	_ =	shalt  }
0x7b: {  	_ =	shalt  }
0x7c: {  	_ =	shalt  }
0x7d: {  	_ =	shalt  }
0x7e: {  	_ =	shalt  }
0x7f: {  	_ =	shalt  }
0x80: {  	_ =	shalt  }
0x81: {  	_ =	shalt  }
0x82: {  	_ =	shalt  }
0x83: {  	_ =	shalt  }
0x84: {  	_ =	shalt  }
0x85: {  	_ =	shalt  }
0x86: {  	_ =	shalt  }
0x87: {  	_ =	shalt  }
.Lfunc_end0:
.L_simem_size_0:
called_computation_lowered:
.L_overlay_start_0:
0x88: {  	s2 =	sld [smem:$0x3FD9]  }
0x89: {  	s3 =	sld [smem:$0x3FFE];
	_ =	sdelay $0x1  }
0x8a: {  	s1 =	srdreg.scid  }
0x8b: {  	s0 =	sand.u32 $0x1, s1  }
0x8c: {  	s17 =	sshll.u32 s0, $0xA;
	s2 =	sadd.s32 s3, s2  }
0x8d: {  	s2 =	sadd.s32 s2, s17  }
0x8e: {  	[smem:$0x3FC4] =	sst s2  }
0x8f: {  	_ = 	snop  }
0x90: {  	s2 =	sld [smem:$0x3FD0];
	(tm) =	ssettm $0x1  }
0x91: {  	s18 =	sld [smem:$0x3FFB];
	_ =	sdelay $0x3  }
0x92: {  	_ =	strace s18  }
0x93: {  	s3 =	sld [smem:$0x3FFC];
	_ =	sdelay $0x3  }
0x94: {  	_ =	strace s3  }
0x95: {  	s3 =	sld [smem:$0x3FFD];
	_ =	sdelay $0x3  }
0x96: {  	_ =	strace s3  }
0x97: {  	_ =	strace $0x8FFFFFFF  }
0x98: {  	s19 =	sld [smem:$0x3FDB];
	_ =	sdelay $0x1  }
0x99: {  	s4 =	simm.s32 $_scs_section_size  }
0x9a: {  	s5 =	simm.s32 $_size__tile_overlayer_lowered;
	s6 =	simm.s32 $_tile_overlayer_lowered  }
0x9b: {  	s22 =	simm.s32 $0x1BFF;
	s21 =	sshll.u32 s6, $0x1;
	s3 =	sadd.s32 s4, s19  }
0x9c: {  	s7 =	simm.s32 $0x0;
	s20 =	sshll.u32 s5, $0x1;
	s5 =	sadd.s32 s21, s3  }
0x9d: {  	[timem:s7], [sflag:s22] =	dma.local [hbm:s5], s20  }
0x9e: {  	_ =	swait.ge [sflag:s22], s20  }
0x9f: {  	s4 =	ssub.s32 $0x0, s20;
	[sflag:s22] =	ssyncset.done $0x0  }
0xa0: {  	[sflag:s22] =	ssyncadd.s32 s4;
	_ =	sdelay $0x1  }
0xa1: {  	s23 =	simm.s32 $0x1B8B  }
0xa2: {  	_ =	swait.ge [sflag:s23], $0x1  }
0xa3: {  	[sflag:s23] =	ssyncset.done $0x0  }
0xa4: {  	s25 =	simm.s32 $0x1B8E;
	s24 =	sld [smem:$0x3FFE];
	[sflag:s23] =	ssyncadd.s32 $0xFFFFFFFF  }
0xa5: {  	s26 =	simm.s32 $execute0_lowered;
	[smem:$0x3FD2] =	sst s25  }
0xa6: {  	s5 =	sshll.u32 s26, $0x1;
	_ =	strace $0x80000046;
	[dreg:$0x1] =	wrdreg $0xFFFFFFFF  }
0xa7: {  	s28 =	simm.s32 $_size_execute0_lowered;
	s3 =	sadd.s32 s3, s5;
	[dreg:$0x0] =	wrdreg $0x0  }
0xa8: {  	s5 =	sshll.u32 s28, $0x1;
	[dreg:$0x2] =	wrdreg s3  }
0xa9: {  	[dreg:$0x3] =	wrdreg s5  }
0xaa: {  	[dreg:$0x4] =	wrdreg $0xC0  }
0xab: {  	_ =	task [dreg:s7], $0x5FFFF  }
0xac: {  	[dreg:$0x1] =	wrdreg $0xFFFFFFFF  }
0xad: {  	[dreg:$0x0] =	wrdreg $0x60  }
0xae: {  	[dreg:$0x2] =	wrdreg s2  }
0xaf: {  	[dreg:$0x3] =	wrdreg s24  }
0xb0: {  	[dreg:$0x4] =	wrdreg $0x0  }
0xb1: {  	[dreg:$0x5] =	wrdreg $0xA0000  }
0xb2: {  	[dreg:$0x6] =	wrdreg $0x9  }
0xb3: {  	_ =	task.clear_ibuf [dreg:s7], $0x7FFFF;
	_ =	strace $0x90000046  }
0xb4: {  	s29 =	simm.s32 $0x9;
	_ =	strace $0x80000048  }
0xb5: {  	_ =	swait.ge [sflag:s29], $0x1  }
0xb6: {  	[sflag:s29] =	ssyncadd.s32 $0xFFFFFFFF  }
0xb7: {  	_ =	strace $0x90000048  }
0xb8: {  	_ =	sfence  }
0xb9: {  	s30 =	sld [smem:$0x0];
	_ =	sdelay $0x2  }
0xba: {  	s31 =	sshll.u32 s1, $0xD;
	s1 =	sshrl.u32 s1, $0x2  }
0xbb: {  	s3 =	sand.u32 $0x4000, s31;
	s1 =	sadd.s32 s1, s30  }
0xbc: {  	s0 =	sor.u32 s3, s0;
	s1 =	sshll.u32 s1, $0x11  }
0xbd: {  	s0 =	sor.u32 s1, s0  }
0xbe: {  	s0 =	sadd.s32 $0x8F2B, s0  }
0xbf: {  	[sflag:s0] =	ssyncadd.remote.s32 $0x1  }
0xc0: {  	_ =	sfence.sel $0xFFFF  }
0xc1: {  	[dreg:$0x0] =	wrdreg $0xFFFFFFFF;
	(pc) =	sbr.abs _section_cstart, $3  }
0xc2: {  	[dreg:$0x1] =	wrdreg $0xFFFFFFFF  }
0xc3: {  	_ =	task.clear_ibuf [dreg:s7], $0x2FFFF;
	_ =	strace $0x9FFFFFFF  }
0xc4: {  	(tm) =	ssettm $0x7FFFFFFF  }
0xc5: {  	_ =	shalt  }
tec
execute0_lowered:
.L_overlay_start_1:
0x0: {  	(tag) =	ssettag $0x1  }
0x1: {  	s1 =	rddreg [dreg:$0x0]  }
0x2: {  	s9 =	rddreg [dreg:$0x1]  }
0x3: {  	s2 =	rddreg [dreg:$0x2]  }
0x4: {  	s3 =	rddreg [dreg:$0x3];
	s4 =	simm.s32 $0x0;
	s8 =	srdreg.scid  }
0x5: {  	s5 =	stileid.u32;
	s18 =	simm.s32 $0xC800;
	s19 =	simm.s32 $0xCB40  }
0x6: {  	s20 =	simm.s32 $0x64;
	s21 =	simm.s32 $0xD1C0;
	s22 =	simm.s32 $0x1  }
0x7: {  	s23 =	simm.s32 $0xEAC0;
	[smem:$0x7FF] =	sst s4;
	s6 =	sadd.s32 $0x29600, s9  }
0x8: {  	s7 =	sadd.s32 $0x15000, s9;
	s10 =	sand.u32 $0x1, s8;
	s8 =	sadd.s32 $0xA00, s9  }
0x9: {  	s12 =	smul.u32 $0xA000, s5;
	s16 =	sadd.s32 $0x3DC00, s9;
	p0 =	seq.s32 s5, $0xF  }
0xa: {  	_ =	strace $0x80000047;
	s11 =	ssub.s32 $0x2, s10;
	s14 =	sshll.u32 s10, $0x4  }
0xb: {  	s15 =	smul.u32 $0x9C400, s10;
	s13 =	sshrl.u32 s11, $0x1;
	s29 =	sor.u32 s5, s14  }
0xc: {  	s9 =	sadd.s32 s12, s2;
	s30 =	sshrl.u32 s12, $0x2;
	s17 =	ssub.s32 s11, s13  }
0xd: {  	s12 =	sadd.s32 s12, s15;
	s10 =	sadd.s32 s30, s3;
	s31 =	sshrl.u32 s15, $0x3  }
0xe: {  	s11 =	smul.u32 $0xC8, s29;
	s15 =	simm.s32 $0xF100;
	s12 =	sshrl.u32 s12, $0x3  }
0xf: {  	s13 =	sadd.s32 s16, s31;
	s14 =	smax.u32 s17, $0x1;
	s17 =	simm.s32 $0x19100  }
0x10: {  	v0 =	vimm.f32 $1.000000000e+00;
	v1 =	vimm.f32 $0.0e+00;
	s12 =	sadd.s32 s16, s12;
	s13 =	sadd.s32 $0x12C00, s13;
	s16 =	simm.s32 $0x2  }
.LBB2_1:
0x11: {  	s24 =	simm.s32 $0x0  }
.LBB2_2:
0x12: {  	p1 =	sne.s32 s24, $0x18C0  }
.Ltmp0:
0x13: {  	_ = 	snop;
	(pc) =	sbr.rel @p1 .LBB2_2-.Ltmp0, $3  }
0x14: {  	_ =	sdelay $0x1  }
0x15: {  	s25 =	sshra.s32 s24, $0x2  }
0x16: {  	s24 =	sadd.s32 $0x40, s24;
	[tilespmem:s25+$0xEAC0] =	vst v0  }
0x17: {  	s24 =	simm.s32 $0xF120  }
0x18: {  	[tilespmem:s24+$0x0] =	vst v1  }
0x19: {  	[tilespmem:s24+$0xFFFFFFE0] =	vst v1  }
0x1a: {  	[tilespmem:s24+$0x10] =	vst v1  }
0x1b: {  	s25 =	simm.s32 $0x40;
	s26 =	simm.s32 $0x0;
	[tilespmem:s24+$0xFFFFFFF0] =	vst v1  }
.LBB2_4:
0x1c: {  	p1 =	sne.s32 s25, $0x9FC0  }
0x1d: {  	[tilespmem:s26+$0x19100] =	vst v1;
	s24 =	sadd.s32 $0x40, s24;
	s26 =	smov.u32 s25;
	s25 =	sadd.s32 $0x40, s25  }
.Ltmp1:
0x1e: {  	[tilespmem:s24+$0x0] =	vst v1;
	(pc) =	sbr.rel @p1 .LBB2_4-.Ltmp1, $4  }
0x1f: {  	_ = 	snop  }
0x20: {  	[tilespmem:s24+$0xFFFFFFE0] =	vst v1  }
0x21: {  	[tilespmem:s24+$0x10] =	vst v1  }
0x22: {  	s26 =	sshra.s32 s26, $0x2;
	[tilespmem:s24+$0xFFFFFFF0] =	vst v1  }
0x23: {  	[tilespmem:s26+$0x19100] =	vst v1  }
0x24: {  	[spmem:s9] =	stream.linear.scatter [tilespmem:s15], [sflag:$0x2], $0xA000, $0x38;
	[tilespmem:$0x1B900] =	vst v63  }
0x25: {  	_ =	swait.ge [sflag:s16], $0xA000  }
0x26: {  	[sflag:s16] =	ssyncset.done $0x0  }
0x27: {  	[sflag:s16] =	ssyncadd.s32 $0xFFFF6000  }
0x28: {  	[spmem:s10] =	stream.linear.scatter [tilespmem:s17], [sflag:$0x2], $0x2800, $0x38;
	[tilespmem:$0x1B900] =	vst v63  }
0x29: {  	_ =	swait.ge [sflag:s16], $0x2800  }
0x2a: {  	[sflag:s16] =	ssyncset.done $0x0  }
0x2b: {  	[sflag:s16] =	ssyncadd.s32 $0xFFFFD800  }
0x2c: {  	s24 =	simm.s32 $0x0;
	s25 =	simm.s32 $0x0;
	[bflag:$0x0] =	sbarrier.arrive $0xFFFF  }
.LBB2_6:
0x2d: {  	s26 =	sshll.u32 s25, $0x3  }
0x2e: {  	s26 =	sadd.s32 s11, s26  }
0x2f: {  	s26 =	smul.u32 $0xD, s26;
	_ =	sdelay $0x1  }
0x30: {  	s28 =	sadd.s32 s6, s26  }
0x31: {  	[tilespmem:s18], [sflag:$0x2] =	stream.linear.gather [hbm4b:s28+s24], $0x340, $0x38;
	[tilespmem:$0x1B900] =	vst v63  }
0x32: {  	_ =	swait.ge [sflag:s16], $0x340  }
0x33: {  	[sflag:s16] =	ssyncset.done $0x0  }
0x34: {  	s28 =	sadd.s32 s7, s26;
	[sflag:s16] =	ssyncadd.s32 $0xFFFFFCC0  }
0x35: {  	[tilespmem:s19], [sflag:$0x2] =	stream.linear.gather [hbm4b:s28+s24], $0x340, $0x38;
	[tilespmem:$0x1B900] =	vst v63  }
0x36: {  	_ =	swait.ge [sflag:s16], $0x340  }
0x37: {  	[sflag:s16] =	ssyncset.done $0x0  }
0x38: {  	s28 =	sadd.s32 s8, s26;
	s26 =	simm.s32 $0xCE80;
	[sflag:s16] =	ssyncadd.s32 $0xFFFFFCC0  }
0x39: {  	[tilespmem:s26], [sflag:$0x2] =	stream.linear.gather [hbm4b:s28+s24], $0x340, $0x38;
	[tilespmem:$0x1B900] =	vst v63  }
0x3a: {  	_ =	swait.ge [sflag:s16], $0x340  }
0x3b: {  	[sflag:s16] =	ssyncset.done $0x0  }
0x3c: {  	s28 =	simm.s32 $0x0;
	[sflag:s16] =	ssyncadd.s32 $0xFFFFFCC0  }
.LBB2_7:
0x3d: {  	s29 =	smul.u32 $0x68, s28;
	_ =	sdelay $0x1  }
0x3e: {  	s30 =	sadd.s32 $0xC800, s29  }
0x3f: {  	v2 =	vmov s26;
	[tilespmem:s21], [sflag:$0x1] =	stream.indirect.gather [hbm4b:s1+s20], $0x40, s30, s20, $0xb8;
	[tilespmem:$0x1B900] =	vst v63  }
0x40: {  	_ =	swait.ge [sflag:s22], $0x1900  }
0x41: {  	[sflag:s22] =	ssyncset.done $0x0  }
0x42: {  	s31 =	simm.s32 $0xD3C0;
	s30 =	simm.s32 $0x0;
	[sflag:s22] =	ssyncadd.s32 $0xFFFFE700  }
.LBB2_8:
0x43: {  	s0 =	sshra.s32 s30, $0x2  }
0x44: {  	v3 =	vld.idx.msk [tilespmem:v2+s0+$0x0 ss:$0x1], $0xffff;
	_ =	sdelay $0x1  }
0x45: {  	v4 =	vld [tilespmem:s31+$0xFFFFFE00];
	_ =	sdelay $0x1  }
0x46: {  	v43 =	vld [tilespmem:s31+$0xFFFFFE10]  }
0x47: {  	v5 =	vbroadcast v3, $0x0  }
0x48: {  	v44 =	vld [tilespmem:s31+$0xFFFFFE20]  }
0x49: {  	v4 =	vmul.f32 v5, v4  }
0x4a: {  	v45 =	vld [tilespmem:s31+$0xFFFFFE30]  }
0x4b: {  	[tilespmem:s31+$0xFFFFFE00] =	vst v4;
	v4 =	vmul.f32 v43, v5  }
0x4c: {  	v46 =	vld [tilespmem:s31+$0xFFFFFE40]  }
0x4d: {  	[tilespmem:s31+$0xFFFFFE10] =	vst v4;
	v4 =	vmul.f32 v44, v5  }
0x4e: {  	v48 =	vld [tilespmem:s31+$0xFFFFFE50]  }
0x4f: {  	v47 =	vbroadcast v3, $0x1;
	[tilespmem:s31+$0xFFFFFE20] =	vst v4;
	v4 =	vmul.f32 v45, v5  }
0x50: {  	v49 =	vld [tilespmem:s31+$0xFFFFFE60]  }
0x51: {  	[tilespmem:s31+$0xFFFFFE30] =	vst v4;
	v4 =	vmul.f32 v46, v47  }
0x52: {  	v50 =	vld [tilespmem:s31+$0xFFFFFE70]  }
0x53: {  	[tilespmem:s31+$0xFFFFFE40] =	vst v4;
	v4 =	vmul.f32 v48, v47  }
0x54: {  	v51 =	vld [tilespmem:s31+$0xFFFFFE80]  }
0x55: {  	[tilespmem:s31+$0xFFFFFE50] =	vst v4;
	v4 =	vmul.f32 v49, v47  }
0x56: {  	v53 =	vld [tilespmem:s31+$0xFFFFFE90]  }
0x57: {  	v52 =	vbroadcast v3, $0x2;
	[tilespmem:s31+$0xFFFFFE60] =	vst v4;
	v4 =	vmul.f32 v50, v47  }
0x58: {  	v54 =	vld [tilespmem:s31+$0xFFFFFEA0]  }
0x59: {  	[tilespmem:s31+$0xFFFFFE70] =	vst v4;
	v4 =	vmul.f32 v51, v52  }
0x5a: {  	v55 =	vld [tilespmem:s31+$0xFFFFFEB0]  }
0x5b: {  	[tilespmem:s31+$0xFFFFFE80] =	vst v4;
	v4 =	vmul.f32 v53, v52  }
0x5c: {  	v56 =	vld [tilespmem:s31+$0xFFFFFEC0]  }
0x5d: {  	[tilespmem:s31+$0xFFFFFE90] =	vst v4;
	v4 =	vmul.f32 v54, v52  }
0x5e: {  	v58 =	vld [tilespmem:s31+$0xFFFFFED0]  }
0x5f: {  	v57 =	vbroadcast v3, $0x3;
	[tilespmem:s31+$0xFFFFFEA0] =	vst v4;
	v4 =	vmul.f32 v55, v52  }
0x60: {  	v59 =	vld [tilespmem:s31+$0xFFFFFEE0]  }
0x61: {  	[tilespmem:s31+$0xFFFFFEB0] =	vst v4;
	v4 =	vmul.f32 v56, v57  }
0x62: {  	v60 =	vld [tilespmem:s31+$0xFFFFFEF0]  }
0x63: {  	[tilespmem:s31+$0xFFFFFEC0] =	vst v4;
	v4 =	vmul.f32 v58, v57  }
0x64: {  	v61 =	vld [tilespmem:s31+$0xFFFFFF00]  }
0x65: {  	[tilespmem:s31+$0xFFFFFED0] =	vst v4;
	v4 =	vmul.f32 v59, v57  }
0x66: {  	v63 =	vld [tilespmem:s31+$0xFFFFFF10]  }
0x67: {  	v62 =	vbroadcast v3, $0x4;
	[tilespmem:s31+$0xFFFFFEE0] =	vst v4;
	v4 =	vmul.f32 v60, v57  }
0x68: {  	v8 =	vld [tilespmem:s31+$0xFFFFFF20]  }
0x69: {  	[tilespmem:s31+$0xFFFFFEF0] =	vst v4;
	v4 =	vmul.f32 v61, v62  }
0x6a: {  	v9 =	vld [tilespmem:s31+$0xFFFFFF30]  }
0x6b: {  	[tilespmem:s31+$0xFFFFFF00] =	vst v4;
	v4 =	vmul.f32 v63, v62  }
0x6c: {  	v10 =	vld [tilespmem:s31+$0xFFFFFF40]  }
0x6d: {  	[tilespmem:s31+$0xFFFFFF10] =	vst v4;
	v4 =	vmul.f32 v8, v62  }
0x6e: {  	v12 =	vld [tilespmem:s31+$0xFFFFFF50]  }
0x6f: {  	v11 =	vbroadcast v3, $0x5;
	[tilespmem:s31+$0xFFFFFF20] =	vst v4;
	v4 =	vmul.f32 v9, v62  }
0x70: {  	v13 =	vld [tilespmem:s31+$0xFFFFFF60]  }
0x71: {  	[tilespmem:s31+$0xFFFFFF30] =	vst v4;
	v4 =	vmul.f32 v10, v11  }
0x72: {  	v14 =	vld [tilespmem:s31+$0xFFFFFF70]  }
0x73: {  	[tilespmem:s31+$0xFFFFFF40] =	vst v4;
	v4 =	vmul.f32 v12, v11  }
0x74: {  	v15 =	vld [tilespmem:s31+$0xFFFFFF80]  }
0x75: {  	[tilespmem:s31+$0xFFFFFF50] =	vst v4;
	v4 =	vmul.f32 v13, v11  }
0x76: {  	v17 =	vld [tilespmem:s31+$0xFFFFFF90]  }
0x77: {  	v16 =	vbroadcast v3, $0x6;
	[tilespmem:s31+$0xFFFFFF60] =	vst v4;
	v4 =	vmul.f32 v14, v11  }
0x78: {  	v18 =	vld [tilespmem:s31+$0xFFFFFFA0]  }
0x79: {  	[tilespmem:s31+$0xFFFFFF70] =	vst v4;
	v4 =	vmul.f32 v15, v16  }
0x7a: {  	v19 =	vld [tilespmem:s31+$0xFFFFFFB0]  }
0x7b: {  	[tilespmem:s31+$0xFFFFFF80] =	vst v4;
	v4 =	vmul.f32 v17, v16  }
0x7c: {  	v20 =	vld [tilespmem:s31+$0xFFFFFFC0]  }
0x7d: {  	[tilespmem:s31+$0xFFFFFF90] =	vst v4;
	v4 =	vmul.f32 v18, v16  }
0x7e: {  	v22 =	vld [tilespmem:s31+$0xFFFFFFD0]  }
0x7f: {  	v21 =	vbroadcast v3, $0x7;
	[tilespmem:s31+$0xFFFFFFA0] =	vst v4;
	v4 =	vmul.f32 v19, v16  }
0x80: {  	v23 =	vld [tilespmem:s31+$0xFFFFFFE0]  }
0x81: {  	[tilespmem:s31+$0xFFFFFFB0] =	vst v4;
	v4 =	vmul.f32 v20, v21  }
0x82: {  	v24 =	vld [tilespmem:s31+$0xFFFFFFF0]  }
0x83: {  	[tilespmem:s31+$0xFFFFFFC0] =	vst v4;
	v4 =	vmul.f32 v22, v21  }
0x84: {  	v25 =	vld [tilespmem:s31+$0x0]  }
0x85: {  	[tilespmem:s31+$0xFFFFFFD0] =	vst v4;
	v4 =	vmul.f32 v23, v21  }
0x86: {  	v27 =	vld [tilespmem:s31+$0x10]  }
0x87: {  	v26 =	vbroadcast v3, $0x8;
	[tilespmem:s31+$0xFFFFFFE0] =	vst v4;
	v4 =	vmul.f32 v24, v21  }
0x88: {  	v28 =	vld [tilespmem:s31+$0x20]  }
0x89: {  	[tilespmem:s31+$0xFFFFFFF0] =	vst v4;
	v4 =	vmul.f32 v25, v26  }
0x8a: {  	v29 =	vld [tilespmem:s31+$0x30]  }
0x8b: {  	[tilespmem:s31+$0x0] =	vst v4;
	v4 =	vmul.f32 v27, v26  }
0x8c: {  	v30 =	vld [tilespmem:s31+$0x40]  }
0x8d: {  	[tilespmem:s31+$0x10] =	vst v4;
	v4 =	vmul.f32 v28, v26  }
0x8e: {  	v32 =	vld [tilespmem:s31+$0x50]  }
0x8f: {  	v31 =	vbroadcast v3, $0x9;
	[tilespmem:s31+$0x20] =	vst v4;
	v4 =	vmul.f32 v29, v26  }
0x90: {  	v33 =	vld [tilespmem:s31+$0x60]  }
0x91: {  	[tilespmem:s31+$0x30] =	vst v4;
	v4 =	vmul.f32 v30, v31  }
0x92: {  	v34 =	vld [tilespmem:s31+$0x70]  }
0x93: {  	[tilespmem:s31+$0x40] =	vst v4;
	v4 =	vmul.f32 v32, v31  }
0x94: {  	v35 =	vld [tilespmem:s31+$0x80]  }
0x95: {  	[tilespmem:s31+$0x50] =	vst v4;
	v4 =	vmul.f32 v33, v31  }
0x96: {  	v37 =	vld [tilespmem:s31+$0x90]  }
0x97: {  	v36 =	vbroadcast v3, $0xA;
	[tilespmem:s31+$0x60] =	vst v4;
	v4 =	vmul.f32 v34, v31  }
0x98: {  	v38 =	vld [tilespmem:s31+$0xA0]  }
0x99: {  	[tilespmem:s31+$0x70] =	vst v4;
	v4 =	vmul.f32 v35, v36  }
0x9a: {  	v39 =	vld [tilespmem:s31+$0xB0]  }
0x9b: {  	[tilespmem:s31+$0x80] =	vst v4;
	v4 =	vmul.f32 v37, v36  }
0x9c: {  	v40 =	vld [tilespmem:s31+$0xC0]  }
0x9d: {  	[tilespmem:s31+$0x90] =	vst v4;
	v4 =	vmul.f32 v38, v36  }
0x9e: {  	v42 =	vld [tilespmem:s31+$0xD0]  }
0x9f: {  	v41 =	vbroadcast v3, $0xB;
	[tilespmem:s31+$0xA0] =	vst v4;
	v4 =	vmul.f32 v39, v36  }
0xa0: {  	v43 =	vld [tilespmem:s31+$0xE0]  }
0xa1: {  	[tilespmem:s31+$0xB0] =	vst v4;
	v4 =	vmul.f32 v40, v41  }
0xa2: {  	v44 =	vld [tilespmem:s31+$0xF0]  }
0xa3: {  	[tilespmem:s31+$0xC0] =	vst v4;
	v4 =	vmul.f32 v42, v41  }
0xa4: {  	v45 =	vld [tilespmem:s31+$0x100]  }
0xa5: {  	[tilespmem:s31+$0xD0] =	vst v4;
	v4 =	vmul.f32 v43, v41  }
0xa6: {  	v47 =	vld [tilespmem:s31+$0x110]  }
0xa7: {  	v46 =	vbroadcast v3, $0xC;
	[tilespmem:s31+$0xE0] =	vst v4;
	v4 =	vmul.f32 v44, v41  }
0xa8: {  	v48 =	vld [tilespmem:s31+$0x120]  }
0xa9: {  	[tilespmem:s31+$0xF0] =	vst v4;
	v4 =	vmul.f32 v45, v46  }
0xaa: {  	v49 =	vld [tilespmem:s31+$0x130]  }
0xab: {  	[tilespmem:s31+$0x100] =	vst v4;
	v4 =	vmul.f32 v47, v46  }
0xac: {  	v50 =	vld [tilespmem:s31+$0x140]  }
0xad: {  	[tilespmem:s31+$0x110] =	vst v4;
	v4 =	vmul.f32 v48, v46  }
0xae: {  	v52 =	vld [tilespmem:s31+$0x150]  }
0xaf: {  	v51 =	vbroadcast v3, $0xD;
	[tilespmem:s31+$0x120] =	vst v4;
	v4 =	vmul.f32 v49, v46  }
0xb0: {  	v53 =	vld [tilespmem:s31+$0x160]  }
0xb1: {  	[tilespmem:s31+$0x130] =	vst v4;
	v4 =	vmul.f32 v50, v51  }
0xb2: {  	v54 =	vld [tilespmem:s31+$0x170]  }
0xb3: {  	[tilespmem:s31+$0x140] =	vst v4;
	v4 =	vmul.f32 v52, v51  }
0xb4: {  	v55 =	vld [tilespmem:s31+$0x180]  }
0xb5: {  	[tilespmem:s31+$0x150] =	vst v4;
	v4 =	vmul.f32 v53, v51  }
0xb6: {  	v57 =	vld [tilespmem:s31+$0x190]  }
0xb7: {  	v56 =	vbroadcast v3, $0xE;
	[tilespmem:s31+$0x160] =	vst v4;
	v4 =	vmul.f32 v54, v51  }
0xb8: {  	v58 =	vld [tilespmem:s31+$0x1A0]  }
0xb9: {  	[tilespmem:s31+$0x170] =	vst v4;
	v4 =	vmul.f32 v55, v56  }
0xba: {  	v59 =	vld [tilespmem:s31+$0x1B0]  }
0xbb: {  	[tilespmem:s31+$0x180] =	vst v4;
	v4 =	vmul.f32 v57, v56  }
0xbc: {  	v60 =	vld [tilespmem:s31+$0x1C0]  }
0xbd: {  	[tilespmem:s31+$0x190] =	vst v4;
	v4 =	vmul.f32 v58, v56  }
0xbe: {  	v61 =	vld [tilespmem:s31+$0x1D0]  }
0xbf: {  	v3 =	vbroadcast v3, $0xF;
	[tilespmem:s31+$0x1A0] =	vst v4;
	v4 =	vmul.f32 v59, v56  }
0xc0: {  	v62 =	vld [tilespmem:s31+$0x1E0]  }
0xc1: {  	v63 =	vld [tilespmem:s31+$0x1F0];
	[tilespmem:s31+$0x1B0] =	vst v4;
	v4 =	vmul.f32 v60, v3;
	_ =	sdelay $0x1  }
0xc2: {  	p1 =	sne.s32 s30, $0x140;
	[tilespmem:s31+$0x1C0] =	vst v4;
	v4 =	vmul.f32 v61, v3  }
.Ltmp2:
0xc3: {  	_ = 	snop;
	(pc) =	sbr.rel @p1 .LBB2_8-.Ltmp2, $4  }
0xc4: {  	[tilespmem:s31+$0x1D0] =	vst v4;
	v4 =	vmul.f32 v62, v3  }
0xc5: {  	v3 =	vmul.f32 v63, v3  }
0xc6: {  	[tilespmem:s31+$0x1E0] =	vst v4  }
0xc7: {  	s30 =	sadd.s32 $0x40, s30;
	[tilespmem:s31+$0x1F0] =	vst v3;
	s31 =	sadd.s32 $0x400, s31  }
0xc8: {  	v2 =	vld.msk [tilespmem:s29+$0xCEE0], $0xf;
	_ =	sdelay $0x1  }
0xc9: {  	v3 =	vld [tilespmem:$0xE9C0]  }
0xca: {  	v4 =	vld [tilespmem:$0xE9D0]  }
0xcb: {  	v5 =	vld [tilespmem:$0xE9E0]  }
0xcc: {  	v7 =	vld [tilespmem:$0xE9F0];
	v6 =	vbroadcast v2, $0x0  }
0xcd: {  	v8 =	vld [tilespmem:$0xEA00]  }
0xce: {  	v9 =	vld [tilespmem:$0xEA10];
	v3 =	vmul.f32 v6, v3  }
0xcf: {  	v10 =	vld [tilespmem:$0xEA20];
	v4 =	vmul.f32 v4, v6  }
0xd0: {  	v11 =	vld [tilespmem:$0xEA30];
	v48 =	vbroadcast v2, $0x1;
	[tilespmem:$0xE9C0] =	vst v3;
	v3 =	vmul.f32 v5, v6  }
0xd1: {  	v50 =	vld [tilespmem:$0xEA40];
	v49 =	vmul.f32 v7, v6;
	[tilespmem:$0xE9D0] =	vst v4  }
0xd2: {  	v51 =	vld [tilespmem:$0xEA50];
	[tilespmem:$0xE9E0] =	vst v3;
	v3 =	vmul.f32 v8, v48  }
0xd3: {  	v53 =	vld [tilespmem:$0xEA60];
	v52 =	vmul.f32 v9, v48;
	[tilespmem:$0xE9F0] =	vst v49  }
0xd4: {  	v55 =	vld [tilespmem:$0xEA70];
	v54 =	vbroadcast v2, $0x2;
	[tilespmem:$0xEA00] =	vst v3;
	v3 =	vmul.f32 v10, v48  }
0xd5: {  	v57 =	vld [tilespmem:$0xEA80];
	v56 =	vmul.f32 v11, v48;
	[tilespmem:$0xEA10] =	vst v52  }
0xd6: {  	v58 =	vld [tilespmem:$0xEA90];
	[tilespmem:$0xEA20] =	vst v3;
	v3 =	vmul.f32 v50, v54  }
0xd7: {  	v60 =	vld [tilespmem:$0xEAA0];
	v59 =	vmul.f32 v51, v54;
	[tilespmem:$0xEA30] =	vst v56  }
0xd8: {  	v61 =	vld [tilespmem:$0xEAB0];
	v2 =	vbroadcast v2, $0x3;
	[tilespmem:$0xEA40] =	vst v3;
	v3 =	vmul.f32 v53, v54  }
0xd9: {  	v62 =	vmul.f32 v55, v54;
	[tilespmem:$0xEA50] =	vst v59  }
0xda: {  	[tilespmem:$0xEA60] =	vst v3;
	v3 =	vmul.f32 v57, v2  }
0xdb: {  	v63 =	vmul.f32 v58, v2;
	[tilespmem:$0xEA70] =	vst v62  }
0xdc: {  	[tilespmem:$0xEA80] =	vst v3;
	v3 =	vmul.f32 v60, v2  }
0xdd: {  	[tilespmem:$0xEA90] =	vst v63;
	v2 =	vmul.f32 v61, v2  }
0xde: {  	[tilespmem:$0xEAA0] =	vst v3  }
0xdf: {  	s0 =	sadd.s32 $0xCB40, s29;
	[tilespmem:$0xEAB0] =	vst v2  }
0xe0: {  	[spmem:s2] =	stream.indirect.scatter.add.f32 [tilespmem:s21], [sflag:$0x2], $0x40, s0, s20, $0xb8;
	[tilespmem:$0x1B900] =	vst v63  }
0xe1: {  	s28 =	sadd.s32 $0x1, s28;
	_ =	swait.ge [sflag:s16], $0x1900  }
0xe2: {  	p1 =	sne.s32 s28, $0x8;
	[sflag:s16] =	ssyncset.done $0x0  }
.Ltmp3:
0xe3: {  	[sflag:s16] =	ssyncadd.s32 $0xFFFFE700;
	(pc) =	sbr.rel @p1 .LBB2_7-.Ltmp3, $4  }
0xe4: {  	[spmem:s3] =	stream.indirect.scatter.add.f32 [tilespmem:s23], [sflag:$0x2], $0x10, s0, s20, $0xb8;
	[tilespmem:$0x1B900] =	vst v63  }
0xe5: {  	_ =	swait.ge [sflag:s16], $0x640  }
0xe6: {  	[sflag:s16] =	ssyncset.done $0x0  }
0xe7: {  	s26 =	sadd.s32 $0x68, s26;
	[sflag:s16] =	ssyncadd.s32 $0xFFFFF9C0  }
0xe8: {  	s25 =	sadd.s32 $0x1, s25  }
0xe9: {  	p1 =	sne.s32 s25, $0x19  }
.Ltmp4:
0xea: {  	_ = 	snop;
	(pc) =	sbr.rel @p1 .LBB2_6-.Ltmp4, $1  }
0xeb: {  	_ =	sdelay $0x3  }
0xec: {  	[bflag:$0x0] =	sbarrier.arrive $0xFFFF  }
0xed: {  	[tilespmem:s15], [sflag:$0x2] =	stream.linear.gather [spmem:s9], $0xA000, $0x38;
	[tilespmem:$0x1B900] =	vst v63  }
0xee: {  	_ =	swait.ge [sflag:s16], $0xA000  }
0xef: {  	[sflag:s16] =	ssyncset.done $0x0  }
0xf0: {  	[sflag:s16] =	ssyncadd.s32 $0xFFFF6000  }
0xf1: {  	[tilespmem:s17], [sflag:$0x2] =	stream.linear.gather [spmem:s10], $0x2800, $0x38;
	[tilespmem:$0x1B900] =	vst v63  }
0xf2: {  	_ =	swait.ge [sflag:s16], $0x2800  }
0xf3: {  	[sflag:s16] =	ssyncset.done $0x0  }
0xf4: {  	s0 =	simm.s32 $0x0;
	[sflag:s16] =	ssyncadd.s32 $0xFFFFD800  }
0xf5: {  	v2 =	vld [tilespmem:s0+$0x19100];
	_ =	sdelay $0x4  }
0xf6: {  	v2 =	vmax.f32 v2, $1.000000000e+00  }
0xf7: {  	(erf) = vrcp.f32 v2;
	_ =	sdelay $0x3  }
0xf8: {  	s24 =	simm.s32 $0xF120  }
0xf9: {  	v2 =	vld [tilespmem:s24+$0xFFFFFFE0]  }
0xfa: {  	v3 =	vld [tilespmem:s24+$0xFFFFFFF0]  }
0xfb: {  	v4 =	vld [tilespmem:s24+$0x0]  }
0xfc: {  	v5 =	vld [tilespmem:s24+$0x10]  }
0xfd: {  	v6 =	vpop (erf)  }
0xfe: {  	v2 =	vmul.f32 v6, v2  }
0xff: {  	v3 =	vmul.f32 v3, v6  }
0x100: {  	v4 =	vmul.f32 v4, v6;
	[tilespmem:s24+$0xFFFFFFE0] =	vst v2  }
0x101: {  	v2 =	vmul.f32 v5, v6;
	[tilespmem:s24+$0xFFFFFFF0] =	vst v3  }
0x102: {  	[tilespmem:s24+$0x0] =	vst v4  }
0x103: {  	s26 =	simm.s32 $0x10;
	s25 =	simm.s32 $0x80;
	[tilespmem:s24+$0x10] =	vst v2  }
.LBB2_12:
0x104: {  	p1 =	sne.s32 s25, $0x9FC0;
	v2 =	vld [tilespmem:s26+$0x19100];
	_ =	sdelay $0x4  }
0x105: {  	v2 =	vmax.f32 v2, $1.000000000e+00  }
0x106: {  	(erf) = vrcp.f32 v2;
	_ =	sdelay $0x1  }
0x107: {  	s24 =	sadd.s32 $0x40, s24  }
0x108: {  	v2 =	vld [tilespmem:s24+$0xFFFFFFF0]  }
0x109: {  	v3 =	vld [tilespmem:s24+$0x10]  }
0x10a: {  	v4 =	vld [tilespmem:s24+$0xFFFFFFE0]  }
0x10b: {  	v5 =	vld [tilespmem:s24+$0x0];
	_ =	sdelay $0x2  }
0x10c: {  	v6 =	vpop (erf)  }
0x10d: {  	v4 =	vmul.f32 v6, v4;
	v2 =	vmul.f32 v2, v6  }
.Ltmp5:
0x10e: {  	v3 =	vmul.f32 v3, v6;
	v5 =	vmul.f32 v5, v6;
	(pc) =	sbr.rel @p1 .LBB2_12-.Ltmp5, $4  }
0x10f: {  	[tilespmem:s24+$0xFFFFFFE0] =	vst v4  }
0x110: {  	[tilespmem:s24+$0xFFFFFFF0] =	vst v2  }
0x111: {  	[tilespmem:s24+$0x0] =	vst v5  }
0x112: {  	s26 =	sshra.s32 s25, $0x2;
	s25 =	sadd.s32 $0x40, s25;
	[tilespmem:s24+$0x10] =	vst v3  }
0x113: {  	v2 =	vld [tilespmem:s26+$0x19100];
	_ =	sdelay $0x4  }
0x114: {  	v2 =	vmax.f32 v2, $1.000000000e+00  }
0x115: {  	(erf) = vrcp.f32 v2;
	_ =	sdelay $0x3  }
0x116: {  	s0 =	sadd.s32 $0x40, s24  }
0x117: {  	v2 =	vld [tilespmem:s0+$0xFFFFFFE0]  }
0x118: {  	v3 =	vld [tilespmem:s0+$0xFFFFFFF0]  }
0x119: {  	v4 =	vld [tilespmem:s0+$0x0]  }
0x11a: {  	v5 =	vld [tilespmem:s0+$0x10]  }
0x11b: {  	v6 =	vpop (erf)  }
0x11c: {  	v2 =	vmul.f32 v6, v2  }
0x11d: {  	v3 =	vmul.f32 v3, v6  }
0x11e: {  	v4 =	vmul.f32 v4, v6;
	[tilespmem:s0+$0xFFFFFFE0] =	vst v2  }
0x11f: {  	v2 =	vmul.f32 v5, v6;
	[tilespmem:s0+$0xFFFFFFF0] =	vst v3  }
0x120: {  	[tilespmem:s0+$0x0] =	vst v4  }
0x121: {  	s24 =	simm.s32 @p0 $0xF100;
	[tilespmem:s0+$0x10] =	vst v2;
	s0 =	simm.s32 @p0 $0x0  }
0x122: {  	[hbm4b:s13+s0] =	stream.linear.scatter @p0 [tilespmem:s24], [sflag:$0x2], $0x6400, $0x38;
	[tilespmem:$0x1B900] =	vst v63  }
0x123: {  	s0 =	simm.s32 @p0 $0x2  }
0x124: {  	s4 =	sadd.s32 $0x1, s4;
	_ =	swait.ge @p0 [sflag:s0], $0x6400  }
0x125: {  	p1 =	sne.s32 s4, s14;
	[sflag:s0] =	ssyncset.done @p0 $0x0  }
0x126: {  	s24 =	simm.s32 @!p0 $0xF100;
	[sflag:s0] =	ssyncadd.s32 @p0 $0xFFFF9C00;
	s0 =	simm.s32 @!p0 $0x0  }
0x127: {  	[hbm4b:s12+s0] =	stream.linear.scatter @!p0 [tilespmem:s24], [sflag:$0x2], $0xA000, $0x38;
	[tilespmem:$0x1B900] =	vst v63  }
.Ltmp6:
0x128: {  	_ = 	snop;
	(pc) =	sbr.rel @p1 .LBB2_1-.Ltmp6, $4  }
0x129: {  	s0 =	simm.s32 @!p0 $0x2  }
0x12a: {  	_ =	swait.ge @!p0 [sflag:s0], $0xA000  }
0x12b: {  	[sflag:s0] =	ssyncset.done @!p0 $0x0  }
0x12c: {  	[sflag:s0] =	ssyncadd.s32 @!p0 $0xFFFF6000  }
0x12d: {  	_ =	sfence.sel $0x180000  }
0x12e: {  	[bflag:$0x0] =	sbarrier.arrive $0xFFFF  }
0x12f: {  	_ =	strace $0x90000047  }
0x130: {  	[bflag:$0x2] =	sbarrier.arrive $0xFFFF  }
0x131: {  	p0 =	sne.s32 s5, $0x0;
	s0 =	rddreg [dreg:$0x4]  }
0x132: {  	s0 =	sadd.s32 @!p0 $0x100000, s0  }
0x133: {  	[sflag:s0] =	ssyncadd.tile.s32 @!p0 $0x1;
	_ =	shalt  }
.Lfunc_end2:
_tile_overlayer_lowered:
.L_overlay_start_2:
0x134: {  	(tag) =	ssettag $0x2  }
0x135: {  	s0 =	rddreg [dreg:$0x0];
	s2 =	stileid.u32  }
0x136: {  	s1 =	rddreg [dreg:$0x1];
	p0 =	sne.s32 s2, $0x0  }
0x137: {  	s3 =	rddreg [dreg:$0x2];
	[bflag:$0x3] =	sbarrier.arrive $0xFFFF;
	s2 =	simm.s32 @!p0 $0x1C02  }
0x138: {  	[timem:s3], [sflag:s2] =	dma.local @!p0 [hbm:s0], s1  }
0x139: {  	s0 =	simm.s32 @!p0 $0x2  }
0x13a: {  	_ =	swait.ge @!p0 [sflag:s0], s1  }
0x13b: {  	s1 =	ssub.s32 @!p0 $0x0, s1;
	[sflag:s0] =	ssyncset.done @!p0 $0x0  }
0x13c: {  	[sflag:s0] =	ssyncadd.s32 @!p0 s1  }
0x13d: {  	[bflag:$0x3] =	sbarrier.arrive $0xFFFF  }
0x13e: {  	_ =	shalt  }

</sc_bundles>
